<compile_context>
chip_gen: v7x
topology: tpu7x:2x2x1
jax: 0.10.2.dev20260603
libtpu: 0.0.44.dev20260713+nightly
codegen_flags: <defaults>
</compile_context>

<pallas_src>
import functools

import jax
import jax.numpy as jnp
from jax import lax
from jax.experimental import pallas as pl
from jax.experimental.pallas import tpu as pltpu
from jax.experimental.pallas import tpu_sc as plsc

N = 10000
E = 320000
F_IN = 128
HID = 200
WS = 128
WB = HID - WS
OUT_LL = 100
CLL = 128

NC = 2
NS = 16
NW = NC * NS
EPW = E // NW
EBLK = 80
WBLK = EPW // EBLK
RPT = 624
TAIL = N - RPT * NS
DEGW = 8

_mesh = plsc.VectorSubcoreMesh(core_axis_name="c", subcore_axis_name="s")
_sc_params = pltpu.CompilerParams(use_tc_tiling_on_sc=False)


def _init_rows(src_hbm, acc, sid):
    r0 = sid * RPT
    pltpu.sync_copy(src_hbm.at[pl.ds(r0, RPT)], acc.at[pl.ds(r0, RPT)])

    @pl.when(sid == NS - 1)
    def _():
        pltpu.sync_copy(src_hbm.at[pl.ds(N - TAIL, TAIL)],
                        acc.at[pl.ds(N - TAIL, TAIL)])


def _writeback_rows(acc, out_hbm, cid, sid):
    r0 = sid * RPT
    pltpu.sync_copy(acc.at[pl.ds(r0, RPT)], out_hbm.at[cid, pl.ds(r0, RPT)])

    @pl.when(sid == NS - 1)
    def _():
        pltpu.sync_copy(acc.at[pl.ds(N - TAIL, TAIL)],
                        out_hbm.at[cid, pl.ds(N - TAIL, TAIL)])


def _pipe(s_hbm, acc, sblk, dblk, rows0, rows1, g0, g1, t0, t1, nblk):
    pltpu.async_copy(s_hbm.at[sblk(0)], rows0, g0)

    def body(k, carry):
        @pl.when(k % 2 == 0)
        def _():
            @pl.when(k + 1 < nblk)
            def _():
                @pl.when(k >= 1)
                def _():
                    pltpu.make_async_copy(rows1, acc.at[dblk(0)], t1).wait()

                pltpu.async_copy(s_hbm.at[sblk(k + 1)], rows1, g1)

            pltpu.make_async_copy(s_hbm.at[sblk(0)], rows0, g0).wait()
            pltpu.async_copy(rows0, acc.at[dblk(k)], t0, add=True)

        @pl.when(k % 2 == 1)
        def _():
            @pl.when(k + 1 < nblk)
            def _():
                pltpu.make_async_copy(rows0, acc.at[dblk(0)], t0).wait()
                pltpu.async_copy(s_hbm.at[sblk(k + 1)], rows0, g0)

            pltpu.make_async_copy(s_hbm.at[sblk(1)], rows1, g1).wait()
            pltpu.async_copy(rows1, acc.at[dblk(k)], t1, add=True)

        return carry

    lax.fori_loop(0, nblk, body, 0)
    pltpu.make_async_copy(rows1, acc.at[dblk(0)], t1).wait()
    pltpu.make_async_copy(rows0, acc.at[dblk(0)], t0).wait()


@functools.partial(
    pl.kernel,
    out_type=jax.ShapeDtypeStruct((NC, N, DEGW), jnp.float32),
    mesh=_mesh,
    compiler_params=_sc_params,
    scratch_types=[
        pltpu.VMEM((WBLK, EBLK), jnp.int32),
        pltpu.VMEM((EBLK, DEGW), jnp.float32),
        pltpu.SemaphoreType.DMA,
        pltpu.VMEM_SHARED((N, DEGW), jnp.float32),
    ],
)
def _sc_degree(dst_hbm, zeros_hbm, ones_hbm, out_hbm, didx, ones_v, dsem,
               acc):
    cid = lax.axis_index("c")
    sid = lax.axis_index("s")
    wid = sid * NC + cid
    _init_rows(zeros_hbm, acc, sid)
    pltpu.sync_copy(ones_hbm, ones_v)
    pltpu.sync_copy(dst_hbm.at[wid], didx)
    plsc.subcore_barrier()

    def body(j, carry):
        pltpu.async_copy(ones_v, acc.at[didx.at[j]], dsem, add=True)
        return carry

    lax.fori_loop(0, WBLK, body, 0)

    def drain(j, carry):
        pltpu.make_async_copy(ones_v, acc.at[didx.at[0]], dsem).wait()
        return carry

    lax.fori_loop(0, WBLK, drain, 0)
    plsc.subcore_barrier()
    _writeback_rows(acc, out_hbm, cid, sid)


@functools.partial(
    pl.kernel,
    out_type=jax.ShapeDtypeStruct((NC, N, F_IN), jnp.float32),
    mesh=_mesh,
    compiler_params=_sc_params,
    scratch_types=[
        pltpu.VMEM((EPW,), jnp.int32),
        pltpu.VMEM((WBLK, EBLK), jnp.int32),
        pltpu.VMEM((EBLK, F_IN), jnp.float32),
        pltpu.VMEM((EBLK, F_IN), jnp.float32),
        pltpu.SemaphoreType.DMA,
        pltpu.SemaphoreType.DMA,
        pltpu.SemaphoreType.DMA,
        pltpu.SemaphoreType.DMA,
        pltpu.VMEM_SHARED((N, F_IN), jnp.float32),
    ],
)
def _sc_agg_x(u_hbm, zeros_hbm, src_hbm, dst_hbm, out_hbm, sidx, didx,
              rows0, rows1, g0, g1, t0, t1, acc):
    cid = lax.axis_index("c")
    sid = lax.axis_index("s")
    wid = sid * NC + cid

    @pl.when(cid == 0)
    def _():
        _init_rows(u_hbm, acc, sid)

    @pl.when(cid != 0)
    def _():
        _init_rows(zeros_hbm, acc, sid)

    pltpu.sync_copy(src_hbm.at[pl.ds(wid * EPW, EPW)], sidx)
    pltpu.sync_copy(dst_hbm.at[wid], didx)
    plsc.subcore_barrier()
    _pipe(u_hbm, acc, lambda k: sidx.at[pl.ds(k * EBLK, EBLK)],
          lambda k: didx.at[k], rows0, rows1, g0, g1, t0, t1, WBLK)
    plsc.subcore_barrier()
    _writeback_rows(acc, out_hbm, cid, sid)


@functools.partial(
    pl.kernel,
    out_type=jax.ShapeDtypeStruct((NC, N, WS), jnp.float32),
    mesh=_mesh,
    compiler_params=_sc_params,
    scratch_types=[
        pltpu.VMEM((EPW,), jnp.int32),
        pltpu.VMEM((WBLK, EBLK), jnp.int32),
        pltpu.VMEM((EBLK, WS), jnp.float32),
        pltpu.VMEM((EBLK, WS), jnp.float32),
        pltpu.SemaphoreType.DMA,
        pltpu.SemaphoreType.DMA,
        pltpu.SemaphoreType.DMA,
        pltpu.SemaphoreType.DMA,
        pltpu.VMEM_SHARED((N, WS), jnp.float32),
    ],
)
def _sc_agg2(sa_hbm, sb_hbm, src_hbm, dst_hbm, out_hbm, sidx, didx,
             rows0, rows1, g0, g1, t0, t1, acc):
    cid = lax.axis_index("c")
    sid = lax.axis_index("s")

    @pl.when(cid == 0)
    def _():
        _init_rows(sa_hbm, acc, sid)

    @pl.when(cid != 0)
    def _():
        _init_rows(sb_hbm, acc, sid)

    plsc.subcore_barrier()

    def _run(s_hbm):
        def wrow(h, carry):
            w = sid * NC + h
            pltpu.sync_copy(src_hbm.at[pl.ds(w * EPW, EPW)], sidx)
            pltpu.sync_copy(dst_hbm.at[w], didx)
            _pipe(s_hbm, acc, lambda k: sidx.at[pl.ds(k * EBLK, EBLK)],
                  lambda k: didx.at[k], rows0, rows1, g0, g1, t0, t1,
                  WBLK)
            return carry

        lax.fori_loop(0, NC, wrow, 0)

    @pl.when(cid == 0)
    def _():
        _run(sa_hbm)

    @pl.when(cid != 0)
    def _():
        _run(sb_hbm)

    plsc.subcore_barrier()
    _writeback_rows(acc, out_hbm, cid, sid)


_R = 1000


def _dinv(d):
    return lax.rsqrt(d[0, :, 0:1] + d[1, :, 0:1] + 1.0)


def _split(s):
    za = s[:, :WS]
    zb = jnp.concatenate(
        [s[:, WS:], jnp.zeros((s.shape[0], WS - WB), jnp.float32)], axis=1)
    return za, zb


def _tc0_body(x_ref, d_ref, o_ref):
    o_ref[...] = _dinv(d_ref[...]) * x_ref[...]


def _tc12_body(a_ref, d_ref, w1_ref, b1_ref, w2_ref, oa_ref, ob_ref):
    dinv = _dinv(d_ref[...])
    a = a_ref[0] + a_ref[1]
    h = jnp.maximum(
        dinv * jnp.dot(a, w1_ref[...], preferred_element_type=jnp.float32)
        + b1_ref[...], 0.0)
    s = dinv * jnp.dot(h, w2_ref[...], preferred_element_type=jnp.float32)
    oa_ref[...], ob_ref[...] = _split(s)


def _tc3_body(a_ref, d_ref, b_ref, wl_ref, bl_ref, cll_ref, o_ref):
    dinv = _dinv(d_ref[...])
    agg = jnp.concatenate([a_ref[0], a_ref[1, :, :WB]], axis=1)
    h = jnp.maximum(dinv * agg + b_ref[...], 0.0)
    emb = jnp.dot(h, wl_ref[...], preferred_element_type=jnp.float32)
    o_ref[:, 0:CLL] = cll_ref[...]
    o_ref[:, CLL:CLL + OUT_LL] = emb + bl_ref[...]


def _row_spec(w):
    return pl.BlockSpec((_R, w), lambda i: (i, 0))


def _pair_spec(w):
    return pl.BlockSpec((NC, _R, w), lambda i: (0, i, 0))


def _const_spec(shape):
    return pl.BlockSpec(shape, lambda i: tuple(0 for _ in shape))


_tc0 = pl.pallas_call(
    _tc0_body,
    grid=(N // _R,),
    in_specs=[_row_spec(F_IN), _pair_spec(DEGW)],
    out_specs=_row_spec(F_IN),
    out_shape=jax.ShapeDtypeStruct((N, F_IN), jnp.float32),
)

_tc12 = pl.pallas_call(
    _tc12_body,
    grid=(N // _R,),
    in_specs=[
        _pair_spec(F_IN),
        _pair_spec(DEGW),
        _const_spec((F_IN, HID)),
        _const_spec((1, HID)),
        _const_spec((HID, HID)),
    ],
    out_specs=[_row_spec(WS), _row_spec(WS)],
    out_shape=[jax.ShapeDtypeStruct((N, WS), jnp.float32),
               jax.ShapeDtypeStruct((N, WS), jnp.float32)],
)

_tc3 = pl.pallas_call(
    _tc3_body,
    grid=(N // _R,),
    in_specs=[
        _pair_spec(WS),
        _pair_spec(DEGW),
        _const_spec((1, HID)),
        _const_spec((HID, OUT_LL)),
        _const_spec((1, OUT_LL)),
        _row_spec(CLL),
    ],
    out_specs=_row_spec(CLL + OUT_LL),
    out_shape=jax.ShapeDtypeStruct((N, CLL + OUT_LL), jnp.float32),
)


def kernel(train_cll, train_drug, edge_index, W1, b1, W2, b2, Wl, bl):
    src1 = edge_index[0]
    dstw = edge_index[1].reshape(NW, WBLK, EBLK)
    zeros_deg = jnp.zeros((N, DEGW), jnp.float32)
    ones_blk = jnp.ones((EBLK, DEGW), jnp.float32)
    zeros_f = jnp.zeros((N, F_IN), jnp.float32)

    deg = _sc_degree(dstw, zeros_deg, ones_blk)
    u1 = _tc0(train_drug, deg)
    a = _sc_agg_x(u1, zeros_f, src1, dstw)
    s2a, s2b = _tc12(a, deg, W1, b1.reshape(1, HID), W2)
    g = _sc_agg2(s2a, s2b, src1, dstw)
    out = _tc3(g, deg, b2.reshape(1, HID), Wl,
               bl.reshape(1, OUT_LL), train_cll)
    return out

# --- scband reference (transcript-rebuilt; emitter-appended) ---
"""Pipeline reference for scband-drug-rank-67637144978267 (READ-ONLY COPY).

The authoritative reference and input builder live on the scoring server;
editing this copy changes nothing except your own understanding.
"""

import jax, jax.numpy as jnp
import numpy as np

N = 10000
E = 320000
MOL = 128
CLL = 128
HID = 200
MOL_LL = 100


def gcn_conv(x, edge_index, W, b):
    n = x.shape[0]
    src = edge_index[0]
    dst = edge_index[1]
    # add self loops (GCNConv default)
    loop = jnp.arange(n, dtype=src.dtype)
    src = jnp.concatenate([src, loop])
    dst = jnp.concatenate([dst, loop])
    # symmetric normalization deg^-1/2 * A_hat * deg^-1/2
    deg = jnp.zeros((n,), dtype=x.dtype).at[dst].add(1.0)
    dinv = jax.lax.rsqrt(jnp.maximum(deg, 1.0))
    norm = dinv[src] * dinv[dst]
    xw = x @ W
    msg = jnp.take(xw, src, axis=0) * norm[:, None]
    out = jnp.zeros((n, W.shape[1]), dtype=x.dtype).at[dst].add(msg)
    return out + b


def setup_inputs(seed: int = 0):
    key = jax.random.key(seed)
    ks = jax.random.split(key, 10)
    train_cll = jax.random.normal(ks[0], (N, CLL), dtype=jnp.float32)
    train_drug = jax.random.normal(ks[1], (N, MOL), dtype=jnp.float32)
    edge_index = jax.random.randint(ks[2], (2, E), 0, N, dtype=jnp.int32)
    W1 = jax.random.normal(ks[3], (MOL, HID), dtype=jnp.float32) * (1.0 / np.sqrt(MOL))
    b1 = jnp.zeros((HID,), dtype=jnp.float32)
    W2 = jax.random.normal(ks[4], (HID, HID), dtype=jnp.float32) * (1.0 / np.sqrt(HID))
    b2 = jnp.zeros((HID,), dtype=jnp.float32)
    Wl = jax.random.normal(ks[5], (HID, MOL_LL), dtype=jnp.float32) * (1.0 / np.sqrt(HID))
    bl = jnp.zeros((MOL_LL,), dtype=jnp.float32)
    return {"train_cll": train_cll, "train_drug": train_drug, "edge_index": edge_index,
            "W1": W1, "b1": b1, "W2": W2, "b2": b2, "Wl": Wl, "bl": bl}


def reference(train_cll, train_drug, edge_index, W1, b1, W2, b2, Wl, bl):
    h = jax.nn.relu(gcn_conv(train_drug, edge_index, W1, b1))
    h = jax.nn.relu(gcn_conv(h, edge_index, W2, b2))
    drug_emb = h @ Wl + bl
    concat_data = jnp.concatenate([train_cll, drug_emb], axis=-1)
    return concat_data

if __name__ == "__main__":
    import jax
    _d = setup_inputs()
    print(jax.jit(kernel)(*tuple(_d.values())))

</pallas_src>

<mosaic_0001>
#map = affine_map<(d0, d1) -> (0, 0, 0)>
#map1 = affine_map<(d0, d1) -> (0, 0)>
module attributes {stable_mosaic.version = 14 : i64} {
  func.func @_sc_degree(%arg0: i32, %arg1: i32, %arg2: memref<32x125x80xi32, #tpu.memory_space<hbm>>, %arg3: memref<10000x8xf32, #tpu.memory_space<hbm>>, %arg4: memref<80x8xf32, #tpu.memory_space<hbm>>, %arg5: memref<2x10000x8xf32, #tpu.memory_space<hbm>>, %arg6: memref<125x80xi32, #tpu.memory_space<vmem>>, %arg7: memref<80x8xf32, #tpu.memory_space<vmem>>, %arg8: memref<!tpu.dma_semaphore, #tpu.memory_space<semaphore_mem>>, %arg9: memref<10000x8xf32, #tpu.memory_space<vmem_shared>>) attributes {dimension_semantics = [#tpu.dimension_semantics<core_parallel>, #tpu.dimension_semantics<subcore_parallel>], iteration_bounds = array<i64: 2, 16>, scalar_prefetch = 0 : i64, scratch_operands = 4 : i64, tpu.core_type = #tpu.core_type<sc_vector_subcore>, window_params = [{transform_indices = #map}, {transform_indices = #map1}, {transform_indices = #map1}, {transform_indices = #map}]} {
    %mul3A = arith.constant 2 : i32
    %mul3A_0 = arith.muli %arg1, %mul3A : i32
    %add3A = arith.addi %mul3A_0, %arg0 : i32
    %mul3A_1 = arith.constant 624 : i32
    %mul3A_2 = arith.muli %arg1, %mul3A_1 : i32
    "tpu.region"() ({
      %run_scoped3A = tpu.sem_alloc : memref<!tpu.dma_semaphore, #tpu.memory_space<semaphore_mem>>
      %dma_start3A = arith.constant 0 : i32
      %dma_start3A_24 = tpu.memref_slice %arg9[%mul3A_2, %dma_start3A] : memref<10000x8xf32, #tpu.memory_space<vmem_shared>> -> memref<624x8xf32, #tpu.memory_space<vmem_shared>>
      %dma_start3A_25 = arith.constant 0 : i32
      %dma_start3A_26 = tpu.memref_slice %arg3[%mul3A_2, %dma_start3A_25] : memref<10000x8xf32, #tpu.memory_space<hbm>> -> memref<624x8xf32, #tpu.memory_space<hbm>>
      tpu.enqueue_dma source(%dma_start3A_26 : memref<624x8xf32, #tpu.memory_space<hbm>>) target(%dma_start3A_24 : memref<624x8xf32, #tpu.memory_space<vmem_shared>>) target_semaphore(%run_scoped3A : memref<!tpu.dma_semaphore, #tpu.memory_space<semaphore_mem>>)
      %dma_wait3A = arith.constant 0 : i32
      %dma_wait3A_27 = tpu.memref_slice %arg9[%mul3A_2, %dma_wait3A] : memref<10000x8xf32, #tpu.memory_space<vmem_shared>> -> memref<624x8xf32, #tpu.memory_space<vmem_shared>>
      %dma_wait3A_28 = arith.constant 0 : i32
      %dma_wait3A_29 = tpu.memref_slice %arg3[%mul3A_2, %dma_wait3A_28] : memref<10000x8xf32, #tpu.memory_space<hbm>> -> memref<624x8xf32, #tpu.memory_space<hbm>>
      tpu.wait_dma2 semaphore(%run_scoped3A : memref<!tpu.dma_semaphore, #tpu.memory_space<semaphore_mem>>) src(%dma_wait3A_29 : memref<624x8xf32, #tpu.memory_space<hbm>>) dst(%dma_wait3A_27 : memref<624x8xf32, #tpu.memory_space<vmem_shared>>)
      tpu.yield
    }) : () -> ()
    %eq3A = arith.constant 15 : i32
    %eq3A_3 = arith.cmpi eq, %arg1, %eq3A : i32
    %convert_element_type3A = arith.extui %eq3A_3 : i1 to i32
    %cond3A = arith.constant 0 : i32
    %cond3A_4 = arith.cmpi ne, %convert_element_type3A, %cond3A : i32
    scf.if %cond3A_4 {
      "tpu.region"() ({
        %run_scoped3A = tpu.sem_alloc : memref<!tpu.dma_semaphore, #tpu.memory_space<semaphore_mem>>
        %dma_start3A = arith.constant 9984 : i32
        %dma_start3A_24 = arith.constant 0 : i32
        %dma_start3A_25 = tpu.memref_slice %arg9[%dma_start3A, %dma_start3A_24] : memref<10000x8xf32, #tpu.memory_space<vmem_shared>> -> memref<16x8xf32, #tpu.memory_space<vmem_shared>>
        %dma_start3A_26 = arith.constant 9984 : i32
        %dma_start3A_27 = arith.constant 0 : i32
        %dma_start3A_28 = tpu.memref_slice %arg3[%dma_start3A_26, %dma_start3A_27] : memref<10000x8xf32, #tpu.memory_space<hbm>> -> memref<16x8xf32, #tpu.memory_space<hbm>>
        tpu.enqueue_dma source(%dma_start3A_28 : memref<16x8xf32, #tpu.memory_space<hbm>>) target(%dma_start3A_25 : memref<16x8xf32, #tpu.memory_space<vmem_shared>>) target_semaphore(%run_scoped3A : memref<!tpu.dma_semaphore, #tpu.memory_space<semaphore_mem>>)
        %dma_wait3A = arith.constant 9984 : i32
        %dma_wait3A_29 = arith.constant 0 : i32
        %dma_wait3A_30 = tpu.memref_slice %arg9[%dma_wait3A, %dma_wait3A_29] : memref<10000x8xf32, #tpu.memory_space<vmem_shared>> -> memref<16x8xf32, #tpu.memory_space<vmem_shared>>
        %dma_wait3A_31 = arith.constant 9984 : i32
        %dma_wait3A_32 = arith.constant 0 : i32
        %dma_wait3A_33 = tpu.memref_slice %arg3[%dma_wait3A_31, %dma_wait3A_32] : memref<10000x8xf32, #tpu.memory_space<hbm>> -> memref<16x8xf32, #tpu.memory_space<hbm>>
        tpu.wait_dma2 semaphore(%run_scoped3A : memref<!tpu.dma_semaphore, #tpu.memory_space<semaphore_mem>>) src(%dma_wait3A_33 : memref<16x8xf32, #tpu.memory_space<hbm>>) dst(%dma_wait3A_30 : memref<16x8xf32, #tpu.memory_space<vmem_shared>>)
        tpu.yield
      }) : () -> ()
    } else {
    }
    "tpu.region"() ({
      %run_scoped3A = tpu.sem_alloc : memref<!tpu.dma_semaphore, #tpu.memory_space<semaphore_mem>>
      tpu.enqueue_dma source(%arg4 : memref<80x8xf32, #tpu.memory_space<hbm>>) target(%arg7 : memref<80x8xf32, #tpu.memory_space<vmem>>) target_semaphore(%run_scoped3A : memref<!tpu.dma_semaphore, #tpu.memory_space<semaphore_mem>>)
      tpu.wait_dma2 semaphore(%run_scoped3A : memref<!tpu.dma_semaphore, #tpu.memory_space<semaphore_mem>>) src(%arg4 : memref<80x8xf32, #tpu.memory_space<hbm>>) dst(%arg7 : memref<80x8xf32, #tpu.memory_space<vmem>>)
      tpu.yield
    }) : () -> ()
    "tpu.region"() ({
      %run_scoped3A = tpu.sem_alloc : memref<!tpu.dma_semaphore, #tpu.memory_space<semaphore_mem>>
      %dma_start3A = arith.constant 0 : i32
      %dma_start3A_24 = arith.constant 0 : i32
      %dma_start3A_25 = tpu.memref_slice %arg2[%add3A, %dma_start3A, %dma_start3A_24] : memref<32x125x80xi32, #tpu.memory_space<hbm>> -> memref<1x125x80xi32, #tpu.memory_space<hbm>>
      %dma_start3A_26 = tpu.memref_squeeze %dma_start3A_25 : memref<1x125x80xi32, #tpu.memory_space<hbm>> -> memref<125x80xi32, #tpu.memory_space<hbm>>
      %dma_start3A_27 = arith.constant 0 : i32
      %dma_start3A_28 = arith.constant 0 : i32
      %dma_start3A_29 = tpu.memref_slice %arg2[%add3A, %dma_start3A_27, %dma_start3A_28] : memref<32x125x80xi32, #tpu.memory_space<hbm>> -> memref<1x125x80xi32, #tpu.memory_space<hbm>>
      %dma_start3A_30 = tpu.memref_squeeze %dma_start3A_29 : memref<1x125x80xi32, #tpu.memory_space<hbm>> -> memref<125x80xi32, #tpu.memory_space<hbm>>
      tpu.enqueue_dma source(%dma_start3A_30 : memref<125x80xi32, #tpu.memory_space<hbm>>) target(%arg6 : memref<125x80xi32, #tpu.memory_space<vmem>>) target_semaphore(%run_scoped3A : memref<!tpu.dma_semaphore, #tpu.memory_space<semaphore_mem>>)
      %dma_wait3A = arith.constant 0 : i32
      %dma_wait3A_31 = arith.constant 0 : i32
      %dma_wait3A_32 = tpu.memref_slice %arg2[%add3A, %dma_wait3A, %dma_wait3A_31] : memref<32x125x80xi32, #tpu.memory_space<hbm>> -> memref<1x125x80xi32, #tpu.memory_space<hbm>>
      %dma_wait3A_33 = tpu.memref_squeeze %dma_wait3A_32 : memref<1x125x80xi32, #tpu.memory_space<hbm>> -> memref<125x80xi32, #tpu.memory_space<hbm>>
      %dma_wait3A_34 = arith.constant 0 : i32
      %dma_wait3A_35 = arith.constant 0 : i32
      %dma_wait3A_36 = tpu.memref_slice %arg2[%add3A, %dma_wait3A_34, %dma_wait3A_35] : memref<32x125x80xi32, #tpu.memory_space<hbm>> -> memref<1x125x80xi32, #tpu.memory_space<hbm>>
      %dma_wait3A_37 = tpu.memref_squeeze %dma_wait3A_36 : memref<1x125x80xi32, #tpu.memory_space<hbm>> -> memref<125x80xi32, #tpu.memory_space<hbm>>
      tpu.wait_dma2 semaphore(%run_scoped3A : memref<!tpu.dma_semaphore, #tpu.memory_space<semaphore_mem>>) src(%dma_wait3A_37 : memref<125x80xi32, #tpu.memory_space<hbm>>) dst(%arg6 : memref<125x80xi32, #tpu.memory_space<vmem>>)
      tpu.yield
    }) : () -> ()
    %barrier3A = arith.constant 0 : index
    tpu.barrier barrier_id(%barrier3A)
    %scan3A = arith.constant 0 : i32
    %scan3A_5 = arith.constant 0 : i32
    %scan3A_6 = arith.constant 125 : i32
    %scan3A_7 = arith.addi %scan3A_5, %scan3A_6 : i32
    %scan3A_8 = arith.constant 1 : i32
    scf.for %scan3A_24 = %scan3A_5 to %scan3A_7 step %scan3A_8  : i32 {
      %dma_start3A = arith.constant 0 : i32
      %dma_start3A_25 = tpu.memref_slice %arg6[%scan3A_24, %dma_start3A] : memref<125x80xi32, #tpu.memory_space<vmem>> -> memref<1x80xi32, #tpu.memory_space<vmem>>
      %dma_start3A_26 = tpu.memref_squeeze %dma_start3A_25 : memref<1x80xi32, #tpu.memory_space<vmem>> -> memref<80xi32, #tpu.memory_space<vmem>>
      %dma_start3A_27 = arith.constant 0 : i32
      %dma_start3A_28 = arith.constant 0 : i32
      %dma_start3A_29 = tpu.memref_slice %arg9[%dma_start3A_27, %dma_start3A_28] : memref<10000x8xf32, #tpu.memory_space<vmem_shared>> -> memref<10000x8xf32, #tpu.memory_space<vmem_shared>>
      tpu.enqueue_indirect_dma source(%arg7 : memref<80x8xf32, #tpu.memory_space<vmem>>) target(%dma_start3A_29 : memref<10000x8xf32, #tpu.memory_space<vmem_shared>>) offsets(%dma_start3A_26 : memref<80xi32, #tpu.memory_space<vmem>>) semaphore(%arg8 : memref<!tpu.dma_semaphore, #tpu.memory_space<semaphore_mem>>) {add = true}
    }
    %scan3A_9 = arith.constant 125 : i32
    %scan3A_10 = arith.constant 0 : i32
    %scan3A_11 = arith.constant 0 : i32
    %scan3A_12 = arith.constant 125 : i32
    %scan3A_13 = arith.addi %scan3A_11, %scan3A_12 : i32
    %scan3A_14 = arith.constant 1 : i32
    scf.for %scan3A_24 = %scan3A_11 to %scan3A_13 step %scan3A_14  : i32 {
      %dma_wait3A = arith.constant 0 : i32
      %dma_wait3A_25 = arith.constant 0 : i32
      %dma_wait3A_26 = tpu.memref_slice %arg6[%dma_wait3A, %dma_wait3A_25] : memref<125x80xi32, #tpu.memory_space<vmem>> -> memref<1x80xi32, #tpu.memory_space<vmem>>
      %dma_wait3A_27 = tpu.memref_squeeze %dma_wait3A_26 : memref<1x80xi32, #tpu.memory_space<vmem>> -> memref<80xi32, #tpu.memory_space<vmem>>
      %dma_wait3A_28 = arith.constant 0 : i32
      %dma_wait3A_29 = arith.constant 0 : i32
      %dma_wait3A_30 = tpu.memref_slice %arg9[%dma_wait3A_28, %dma_wait3A_29] : memref<10000x8xf32, #tpu.memory_space<vmem_shared>> -> memref<10000x8xf32, #tpu.memory_space<vmem_shared>>
      tpu.wait_indirect_dma semaphore(%arg8 : memref<!tpu.dma_semaphore, #tpu.memory_space<semaphore_mem>>) src(%arg7 : memref<80x8xf32, #tpu.memory_space<vmem>>) dst(%dma_wait3A_30 : memref<10000x8xf32, #tpu.memory_space<vmem_shared>>)
    }
    %scan3A_15 = arith.constant 125 : i32
    %barrier3A_16 = arith.constant 0 : index
    tpu.barrier barrier_id(%barrier3A_16)
    %mul3A_17 = arith.constant 624 : i32
    %mul3A_18 = arith.muli %arg1, %mul3A_17 : i32
    "tpu.region"() ({
      %run_scoped3A = tpu.sem_alloc : memref<!tpu.dma_semaphore, #tpu.memory_space<semaphore_mem>>
      %dma_start3A = arith.constant 0 : i32
      %dma_start3A_24 = tpu.memref_slice %arg5[%arg0, %mul3A_18, %dma_start3A] : memref<2x10000x8xf32, #tpu.memory_space<hbm>> -> memref<1x624x8xf32, #tpu.memory_space<hbm>>
      %dma_start3A_25 = tpu.memref_squeeze %dma_start3A_24 : memref<1x624x8xf32, #tpu.memory_space<hbm>> -> memref<624x8xf32, #tpu.memory_space<hbm>>
      %dma_start3A_26 = arith.constant 0 : i32
      %dma_start3A_27 = tpu.memref_slice %arg9[%mul3A_18, %dma_start3A_26] : memref<10000x8xf32, #tpu.memory_space<vmem_shared>> -> memref<624x8xf32, #tpu.memory_space<vmem_shared>>
      tpu.enqueue_dma source(%dma_start3A_27 : memref<624x8xf32, #tpu.memory_space<vmem_shared>>) target(%dma_start3A_25 : memref<624x8xf32, #tpu.memory_space<hbm>>) target_semaphore(%run_scoped3A : memref<!tpu.dma_semaphore, #tpu.memory_space<semaphore_mem>>)
      %dma_wait3A = arith.constant 0 : i32
      %dma_wait3A_28 = tpu.memref_slice %arg5[%arg0, %mul3A_18, %dma_wait3A] : memref<2x10000x8xf32, #tpu.memory_space<hbm>> -> memref<1x624x8xf32, #tpu.memory_space<hbm>>
      %dma_wait3A_29 = tpu.memref_squeeze %dma_wait3A_28 : memref<1x624x8xf32, #tpu.memory_space<hbm>> -> memref<624x8xf32, #tpu.memory_space<hbm>>
      %dma_wait3A_30 = arith.constant 0 : i32
      %dma_wait3A_31 = tpu.memref_slice %arg9[%mul3A_18, %dma_wait3A_30] : memref<10000x8xf32, #tpu.memory_space<vmem_shared>> -> memref<624x8xf32, #tpu.memory_space<vmem_shared>>
      tpu.wait_dma2 semaphore(%run_scoped3A : memref<!tpu.dma_semaphore, #tpu.memory_space<semaphore_mem>>) src(%dma_wait3A_31 : memref<624x8xf32, #tpu.memory_space<vmem_shared>>) dst(%dma_wait3A_29 : memref<624x8xf32, #tpu.memory_space<hbm>>)
      tpu.yield
    }) : () -> ()
    %eq3A_19 = arith.constant 15 : i32
    %eq3A_20 = arith.cmpi eq, %arg1, %eq3A_19 : i32
    %convert_element_type3A_21 = arith.extui %eq3A_20 : i1 to i32
    %cond3A_22 = arith.constant 0 : i32
    %cond3A_23 = arith.cmpi ne, %convert_element_type3A_21, %cond3A_22 : i32
    scf.if %cond3A_23 {
      "tpu.region"() ({
        %run_scoped3A = tpu.sem_alloc : memref<!tpu.dma_semaphore, #tpu.memory_space<semaphore_mem>>
        %dma_start3A = arith.constant 9984 : i32
        %dma_start3A_24 = arith.constant 0 : i32
        %dma_start3A_25 = tpu.memref_slice %arg5[%arg0, %dma_start3A, %dma_start3A_24] : memref<2x10000x8xf32, #tpu.memory_space<hbm>> -> memref<1x16x8xf32, #tpu.memory_space<hbm>>
        %dma_start3A_26 = tpu.memref_squeeze %dma_start3A_25 : memref<1x16x8xf32, #tpu.memory_space<hbm>> -> memref<16x8xf32, #tpu.memory_space<hbm>>
        %dma_start3A_27 = arith.constant 9984 : i32
        %dma_start3A_28 = arith.constant 0 : i32
        %dma_start3A_29 = tpu.memref_slice %arg9[%dma_start3A_27, %dma_start3A_28] : memref<10000x8xf32, #tpu.memory_space<vmem_shared>> -> memref<16x8xf32, #tpu.memory_space<vmem_shared>>
        tpu.enqueue_dma source(%dma_start3A_29 : memref<16x8xf32, #tpu.memory_space<vmem_shared>>) target(%dma_start3A_26 : memref<16x8xf32, #tpu.memory_space<hbm>>) target_semaphore(%run_scoped3A : memref<!tpu.dma_semaphore, #tpu.memory_space<semaphore_mem>>)
        %dma_wait3A = arith.constant 9984 : i32
        %dma_wait3A_30 = arith.constant 0 : i32
        %dma_wait3A_31 = tpu.memref_slice %arg5[%arg0, %dma_wait3A, %dma_wait3A_30] : memref<2x10000x8xf32, #tpu.memory_space<hbm>> -> memref<1x16x8xf32, #tpu.memory_space<hbm>>
        %dma_wait3A_32 = tpu.memref_squeeze %dma_wait3A_31 : memref<1x16x8xf32, #tpu.memory_space<hbm>> -> memref<16x8xf32, #tpu.memory_space<hbm>>
        %dma_wait3A_33 = arith.constant 9984 : i32
        %dma_wait3A_34 = arith.constant 0 : i32
        %dma_wait3A_35 = tpu.memref_slice %arg9[%dma_wait3A_33, %dma_wait3A_34] : memref<10000x8xf32, #tpu.memory_space<vmem_shared>> -> memref<16x8xf32, #tpu.memory_space<vmem_shared>>
        tpu.wait_dma2 semaphore(%run_scoped3A : memref<!tpu.dma_semaphore, #tpu.memory_space<semaphore_mem>>) src(%dma_wait3A_35 : memref<16x8xf32, #tpu.memory_space<vmem_shared>>) dst(%dma_wait3A_32 : memref<16x8xf32, #tpu.memory_space<hbm>>)
        tpu.yield
      }) : () -> ()
    } else {
    }
    return
  }
}

#map = affine_map<(d0, d1) -> (0, 0)>
#map1 = affine_map<(d0, d1) -> (0)>
#map2 = affine_map<(d0, d1) -> (0, 0, 0)>
module attributes {stable_mosaic.version = 14 : i64} {
  func.func @_sc_agg2(%arg0: i32, %arg1: i32, %arg2: memref<10000x128xf32, #tpu.memory_space<hbm>>, %arg3: memref<10000x128xf32, #tpu.memory_space<hbm>>, %arg4: memref<320000xi32, #tpu.memory_space<hbm>>, %arg5: memref<32x125x80xi32, #tpu.memory_space<hbm>>, %arg6: memref<2x10000x128xf32, #tpu.memory_space<hbm>>, %arg7: memref<10000xi32, #tpu.memory_space<vmem>>, %arg8: memref<125x80xi32, #tpu.memory_space<vmem>>, %arg9: memref<80x128xf32, #tpu.memory_space<vmem>>, %arg10: memref<80x128xf32, #tpu.memory_space<vmem>>, %arg11: memref<!tpu.dma_semaphore, #tpu.memory_space<semaphore_mem>>, %arg12: memref<!tpu.dma_semaphore, #tpu.memory_space<semaphore_mem>>, %arg13: memref<!tpu.dma_semaphore, #tpu.memory_space<semaphore_mem>>, %arg14: memref<!tpu.dma_semaphore, #tpu.memory_space<semaphore_mem>>, %arg15: memref<10000x128xf32, #tpu.memory_space<vmem_shared>>) attributes {dimension_semantics = [#tpu.dimension_semantics<core_parallel>, #tpu.dimension_semantics<subcore_parallel>], iteration_bounds = array<i64: 2, 16>, scalar_prefetch = 0 : i64, scratch_operands = 9 : i64, tpu.core_type = #tpu.core_type<sc_vector_subcore>, window_params = [{transform_indices = #map}, {transform_indices = #map}, {transform_indices = #map1}, {transform_indices = #map2}, {transform_indices = #map2}]} {
    %eq3A = arith.constant 0 : i32
    %eq3A_0 = arith.cmpi eq, %arg0, %eq3A : i32
    %convert_element_type3A = arith.extui %eq3A_0 : i1 to i32
    %cond3A = arith.constant 0 : i32
    %cond3A_1 = arith.cmpi ne, %convert_element_type3A, %cond3A : i32
    scf.if %cond3A_1 {
      %mul3A_23 = arith.constant 624 : i32
      %mul3A_24 = arith.muli %arg1, %mul3A_23 : i32
      "tpu.region"() ({
        %run_scoped3A = tpu.sem_alloc : memref<!tpu.dma_semaphore, #tpu.memory_space<semaphore_mem>>
        %dma_start3A = arith.constant 0 : i32
        %dma_start3A_30 = tpu.memref_slice %arg15[%mul3A_24, %dma_start3A] : memref<10000x128xf32, #tpu.memory_space<vmem_shared>> -> memref<624x128xf32, #tpu.memory_space<vmem_shared>>
        %dma_start3A_31 = arith.constant 0 : i32
        %dma_start3A_32 = tpu.memref_slice %arg2[%mul3A_24, %dma_start3A_31] : memref<10000x128xf32, #tpu.memory_space<hbm>> -> memref<624x128xf32, #tpu.memory_space<hbm>>
        tpu.enqueue_dma source(%dma_start3A_32 : memref<624x128xf32, #tpu.memory_space<hbm>>) target(%dma_start3A_30 : memref<624x128xf32, #tpu.memory_space<vmem_shared>>) target_semaphore(%run_scoped3A : memref<!tpu.dma_semaphore, #tpu.memory_space<semaphore_mem>>)
        %dma_wait3A = arith.constant 0 : i32
        %dma_wait3A_33 = tpu.memref_slice %arg15[%mul3A_24, %dma_wait3A] : memref<10000x128xf32, #tpu.memory_space<vmem_shared>> -> memref<624x128xf32, #tpu.memory_space<vmem_shared>>
        %dma_wait3A_34 = arith.constant 0 : i32
        %dma_wait3A_35 = tpu.memref_slice %arg2[%mul3A_24, %dma_wait3A_34] : memref<10000x128xf32, #tpu.memory_space<hbm>> -> memref<624x128xf32, #tpu.memory_space<hbm>>
        tpu.wait_dma2 semaphore(%run_scoped3A : memref<!tpu.dma_semaphore, #tpu.memory_space<semaphore_mem>>) src(%dma_wait3A_35 : memref<624x128xf32, #tpu.memory_space<hbm>>) dst(%dma_wait3A_33 : memref<624x128xf32, #tpu.memory_space<vmem_shared>>)
        tpu.yield
      }) : () -> ()
      %eq3A_25 = arith.constant 15 : i32
      %eq3A_26 = arith.cmpi eq, %arg1, %eq3A_25 : i32
      %convert_element_type3A_27 = arith.extui %eq3A_26 : i1 to i32
      %cond3A_28 = arith.constant 0 : i32
      %cond3A_29 = arith.cmpi ne, %convert_element_type3A_27, %cond3A_28 : i32
      scf.if %cond3A_29 {
        "tpu.region"() ({
          %run_scoped3A = tpu.sem_alloc : memref<!tpu.dma_semaphore, #tpu.memory_space<semaphore_mem>>
          %dma_start3A = arith.constant 9984 : i32
          %dma_start3A_30 = arith.constant 0 : i32
          %dma_start3A_31 = tpu.memref_slice %arg15[%dma_start3A, %dma_start3A_30] : memref<10000x128xf32, #tpu.memory_space<vmem_shared>> -> memref<16x128xf32, #tpu.memory_space<vmem_shared>>
          %dma_start3A_32 = arith.constant 9984 : i32
          %dma_start3A_33 = arith.constant 0 : i32
          %dma_start3A_34 = tpu.memref_slice %arg2[%dma_start3A_32, %dma_start3A_33] : memref<10000x128xf32, #tpu.memory_space<hbm>> -> memref<16x128xf32, #tpu.memory_space<hbm>>
          tpu.enqueue_dma source(%dma_start3A_34 : memref<16x128xf32, #tpu.memory_space<hbm>>) target(%dma_start3A_31 : memref<16x128xf32, #tpu.memory_space<vmem_shared>>) target_semaphore(%run_scoped3A : memref<!tpu.dma_semaphore, #tpu.memory_space<semaphore_mem>>)
          %dma_wait3A = arith.constant 9984 : i32
          %dma_wait3A_35 = arith.constant 0 : i32
          %dma_wait3A_36 = tpu.memref_slice %arg15[%dma_wait3A, %dma_wait3A_35] : memref<10000x128xf32, #tpu.memory_space<vmem_shared>> -> memref<16x128xf32, #tpu.memory_space<vmem_shared>>
          %dma_wait3A_37 = arith.constant 9984 : i32
          %dma_wait3A_38 = arith.constant 0 : i32
          %dma_wait3A_39 = tpu.memref_slice %arg2[%dma_wait3A_37, %dma_wait3A_38] : memref<10000x128xf32, #tpu.memory_space<hbm>> -> memref<16x128xf32, #tpu.memory_space<hbm>>
          tpu.wait_dma2 semaphore(%run_scoped3A : memref<!tpu.dma_semaphore, #tpu.memory_space<semaphore_mem>>) src(%dma_wait3A_39 : memref<16x128xf32, #tpu.memory_space<hbm>>) dst(%dma_wait3A_36 : memref<16x128xf32, #tpu.memory_space<vmem_shared>>)
          tpu.yield
        }) : () -> ()
      } else {
      }
    } else {
    }
    %ne3A = arith.constant 0 : i32
    %ne3A_2 = arith.cmpi ne, %arg0, %ne3A : i32
    %convert_element_type3A_3 = arith.extui %ne3A_2 : i1 to i32
    %cond3A_4 = arith.constant 0 : i32
    %cond3A_5 = arith.cmpi ne, %convert_element_type3A_3, %cond3A_4 : i32
    scf.if %cond3A_5 {
      %mul3A_23 = arith.constant 624 : i32
      %mul3A_24 = arith.muli %arg1, %mul3A_23 : i32
      "tpu.region"() ({
        %run_scoped3A = tpu.sem_alloc : memref<!tpu.dma_semaphore, #tpu.memory_space<semaphore_mem>>
        %dma_start3A = arith.constant 0 : i32
        %dma_start3A_30 = tpu.memref_slice %arg15[%mul3A_24, %dma_start3A] : memref<10000x128xf32, #tpu.memory_space<vmem_shared>> -> memref<624x128xf32, #tpu.memory_space<vmem_shared>>
        %dma_start3A_31 = arith.constant 0 : i32
        %dma_start3A_32 = tpu.memref_slice %arg3[%mul3A_24, %dma_start3A_31] : memref<10000x128xf32, #tpu.memory_space<hbm>> -> memref<624x128xf32, #tpu.memory_space<hbm>>
        tpu.enqueue_dma source(%dma_start3A_32 : memref<624x128xf32, #tpu.memory_space<hbm>>) target(%dma_start3A_30 : memref<624x128xf32, #tpu.memory_space<vmem_shared>>) target_semaphore(%run_scoped3A : memref<!tpu.dma_semaphore, #tpu.memory_space<semaphore_mem>>)
        %dma_wait3A = arith.constant 0 : i32
        %dma_wait3A_33 = tpu.memref_slice %arg15[%mul3A_24, %dma_wait3A] : memref<10000x128xf32, #tpu.memory_space<vmem_shared>> -> memref<624x128xf32, #tpu.memory_space<vmem_shared>>
        %dma_wait3A_34 = arith.constant 0 : i32
        %dma_wait3A_35 = tpu.memref_slice %arg3[%mul3A_24, %dma_wait3A_34] : memref<10000x128xf32, #tpu.memory_space<hbm>> -> memref<624x128xf32, #tpu.memory_space<hbm>>
        tpu.wait_dma2 semaphore(%run_scoped3A : memref<!tpu.dma_semaphore, #tpu.memory_space<semaphore_mem>>) src(%dma_wait3A_35 : memref<624x128xf32, #tpu.memory_space<hbm>>) dst(%dma_wait3A_33 : memref<624x128xf32, #tpu.memory_space<vmem_shared>>)
        tpu.yield
      }) : () -> ()
      %eq3A_25 = arith.constant 15 : i32
      %eq3A_26 = arith.cmpi eq, %arg1, %eq3A_25 : i32
      %convert_element_type3A_27 = arith.extui %eq3A_26 : i1 to i32
      %cond3A_28 = arith.constant 0 : i32
      %cond3A_29 = arith.cmpi ne, %convert_element_type3A_27, %cond3A_28 : i32
      scf.if %cond3A_29 {
        "tpu.region"() ({
          %run_scoped3A = tpu.sem_alloc : memref<!tpu.dma_semaphore, #tpu.memory_space<semaphore_mem>>
          %dma_start3A = arith.constant 9984 : i32
          %dma_start3A_30 = arith.constant 0 : i32
          %dma_start3A_31 = tpu.memref_slice %arg15[%dma_start3A, %dma_start3A_30] : memref<10000x128xf32, #tpu.memory_space<vmem_shared>> -> memref<16x128xf32, #tpu.memory_space<vmem_shared>>
          %dma_start3A_32 = arith.constant 9984 : i32
          %dma_start3A_33 = arith.constant 0 : i32
          %dma_start3A_34 = tpu.memref_slice %arg3[%dma_start3A_32, %dma_start3A_33] : memref<10000x128xf32, #tpu.memory_space<hbm>> -> memref<16x128xf32, #tpu.memory_space<hbm>>
          tpu.enqueue_dma source(%dma_start3A_34 : memref<16x128xf32, #tpu.memory_space<hbm>>) target(%dma_start3A_31 : memref<16x128xf32, #tpu.memory_space<vmem_shared>>) target_semaphore(%run_scoped3A : memref<!tpu.dma_semaphore, #tpu.memory_space<semaphore_mem>>)
          %dma_wait3A = arith.constant 9984 : i32
          %dma_wait3A_35 = arith.constant 0 : i32
          %dma_wait3A_36 = tpu.memref_slice %arg15[%dma_wait3A, %dma_wait3A_35] : memref<10000x128xf32, #tpu.memory_space<vmem_shared>> -> memref<16x128xf32, #tpu.memory_space<vmem_shared>>
          %dma_wait3A_37 = arith.constant 9984 : i32
          %dma_wait3A_38 = arith.constant 0 : i32
          %dma_wait3A_39 = tpu.memref_slice %arg3[%dma_wait3A_37, %dma_wait3A_38] : memref<10000x128xf32, #tpu.memory_space<hbm>> -> memref<16x128xf32, #tpu.memory_space<hbm>>
          tpu.wait_dma2 semaphore(%run_scoped3A : memref<!tpu.dma_semaphore, #tpu.memory_space<semaphore_mem>>) src(%dma_wait3A_39 : memref<16x128xf32, #tpu.memory_space<hbm>>) dst(%dma_wait3A_36 : memref<16x128xf32, #tpu.memory_space<vmem_shared>>)
          tpu.yield
        }) : () -> ()
      } else {
      }
    } else {
    }
    %barrier3A = arith.constant 0 : index
    tpu.barrier barrier_id(%barrier3A)
    %eq3A_6 = arith.constant 0 : i32
    %eq3A_7 = arith.cmpi eq, %arg0, %eq3A_6 : i32
    %convert_element_type3A_8 = arith.extui %eq3A_7 : i1 to i32
    %cond3A_9 = arith.constant 0 : i32
    %cond3A_10 = arith.cmpi ne, %convert_element_type3A_8, %cond3A_9 : i32
    scf.if %cond3A_10 {
      %scan3A = arith.constant 0 : i32
      %scan3A_23 = arith.constant 0 : i32
      %scan3A_24 = arith.constant 2 : i32
      %scan3A_25 = arith.addi %scan3A_23, %scan3A_24 : i32
      %scan3A_26 = arith.constant 1 : i32
      scf.for %scan3A_28 = %scan3A_23 to %scan3A_25 step %scan3A_26  : i32 {
        %mul3A_29 = arith.constant 2 : i32
        %mul3A_30 = arith.muli %arg1, %mul3A_29 : i32
        %add3A = arith.addi %mul3A_30, %scan3A_28 : i32
        %mul3A_31 = arith.constant 10000 : i32
        %mul3A_32 = arith.muli %add3A, %mul3A_31 : i32
        "tpu.region"() ({
          %run_scoped3A = tpu.sem_alloc : memref<!tpu.dma_semaphore, #tpu.memory_space<semaphore_mem>>
          %dma_start3A_56 = tpu.memref_slice %arg4[%mul3A_32] : memref<320000xi32, #tpu.memory_space<hbm>> -> memref<10000xi32, #tpu.memory_space<hbm>>
          %dma_start3A_57 = tpu.memref_slice %arg4[%mul3A_32] : memref<320000xi32, #tpu.memory_space<hbm>> -> memref<10000xi32, #tpu.memory_space<hbm>>
          tpu.enqueue_dma source(%dma_start3A_57 : memref<10000xi32, #tpu.memory_space<hbm>>) target(%arg7 : memref<10000xi32, #tpu.memory_space<vmem>>) target_semaphore(%run_scoped3A : memref<!tpu.dma_semaphore, #tpu.memory_space<semaphore_mem>>)
          %dma_wait3A_58 = tpu.memref_slice %arg4[%mul3A_32] : memref<320000xi32, #tpu.memory_space<hbm>> -> memref<10000xi32, #tpu.memory_space<hbm>>
          %dma_wait3A_59 = tpu.memref_slice %arg4[%mul3A_32] : memref<320000xi32, #tpu.memory_space<hbm>> -> memref<10000xi32, #tpu.memory_space<hbm>>
          tpu.wait_dma2 semaphore(%run_scoped3A : memref<!tpu.dma_semaphore, #tpu.memory_space<semaphore_mem>>) src(%dma_wait3A_59 : memref<10000xi32, #tpu.memory_space<hbm>>) dst(%arg7 : memref<10000xi32, #tpu.memory_space<vmem>>)
          tpu.yield
        }) : () -> ()
        "tpu.region"() ({
          %run_scoped3A = tpu.sem_alloc : memref<!tpu.dma_semaphore, #tpu.memory_space<semaphore_mem>>
          %dma_start3A_56 = arith.constant 0 : i32
          %dma_start3A_57 = arith.constant 0 : i32
          %dma_start3A_58 = tpu.memref_slice %arg5[%add3A, %dma_start3A_56, %dma_start3A_57] : memref<32x125x80xi32, #tpu.memory_space<hbm>> -> memref<1x125x80xi32, #tpu.memory_space<hbm>>
          %dma_start3A_59 = tpu.memref_squeeze %dma_start3A_58 : memref<1x125x80xi32, #tpu.memory_space<hbm>> -> memref<125x80xi32, #tpu.memory_space<hbm>>
          %dma_start3A_60 = arith.constant 0 : i32
          %dma_start3A_61 = arith.constant 0 : i32
          %dma_start3A_62 = tpu.memref_slice %arg5[%add3A, %dma_start3A_60, %dma_start3A_61] : memref<32x125x80xi32, #tpu.memory_space<hbm>> -> memref<1x125x80xi32, #tpu.memory_space<hbm>>
          %dma_start3A_63 = tpu.memref_squeeze %dma_start3A_62 : memref<1x125x80xi32, #tpu.memory_space<hbm>> -> memref<125x80xi32, #tpu.memory_space<hbm>>
          tpu.enqueue_dma source(%dma_start3A_63 : memref<125x80xi32, #tpu.memory_space<hbm>>) target(%arg8 : memref<125x80xi32, #tpu.memory_space<vmem>>) target_semaphore(%run_scoped3A : memref<!tpu.dma_semaphore, #tpu.memory_space<semaphore_mem>>)
          %dma_wait3A_64 = arith.constant 0 : i32
          %dma_wait3A_65 = arith.constant 0 : i32
          %dma_wait3A_66 = tpu.memref_slice %arg5[%add3A, %dma_wait3A_64, %dma_wait3A_65] : memref<32x125x80xi32, #tpu.memory_space<hbm>> -> memref<1x125x80xi32, #tpu.memory_space<hbm>>
          %dma_wait3A_67 = tpu.memref_squeeze %dma_wait3A_66 : memref<1x125x80xi32, #tpu.memory_space<hbm>> -> memref<125x80xi32, #tpu.memory_space<hbm>>
          %dma_wait3A_68 = arith.constant 0 : i32
          %dma_wait3A_69 = arith.constant 0 : i32
          %dma_wait3A_70 = tpu.memref_slice %arg5[%add3A, %dma_wait3A_68, %dma_wait3A_69] : memref<32x125x80xi32, #tpu.memory_space<hbm>> -> memref<1x125x80xi32, #tpu.memory_space<hbm>>
          %dma_wait3A_71 = tpu.memref_squeeze %dma_wait3A_70 : memref<1x125x80xi32, #tpu.memory_space<hbm>> -> memref<125x80xi32, #tpu.memory_space<hbm>>
          tpu.wait_dma2 semaphore(%run_scoped3A : memref<!tpu.dma_semaphore, #tpu.memory_space<semaphore_mem>>) src(%dma_wait3A_71 : memref<125x80xi32, #tpu.memory_space<hbm>>) dst(%arg8 : memref<125x80xi32, #tpu.memory_space<vmem>>)
          tpu.yield
        }) : () -> ()
        %dma_start3A = arith.constant 0 : i32
        %dma_start3A_33 = tpu.memref_slice %arg7[%dma_start3A] : memref<10000xi32, #tpu.memory_space<vmem>> -> memref<80xi32, #tpu.memory_space<vmem>>
        %dma_start3A_34 = arith.constant 0 : i32
        %dma_start3A_35 = arith.constant 0 : i32
        %dma_start3A_36 = tpu.memref_slice %arg2[%dma_start3A_34, %dma_start3A_35] : memref<10000x128xf32, #tpu.memory_space<hbm>> -> memref<10000x128xf32, #tpu.memory_space<hbm>>
        tpu.enqueue_indirect_dma source(%dma_start3A_36 : memref<10000x128xf32, #tpu.memory_space<hbm>>) target(%arg9 : memref<80x128xf32, #tpu.memory_space<vmem>>) offsets(%dma_start3A_33 : memref<80xi32, #tpu.memory_space<vmem>>) semaphore(%arg11 : memref<!tpu.dma_semaphore, #tpu.memory_space<semaphore_mem>>)
        %scan3A_37 = arith.constant 0 : i32
        %scan3A_38 = arith.constant 0 : i32
        %scan3A_39 = arith.constant 125 : i32
        %scan3A_40 = arith.addi %scan3A_38, %scan3A_39 : i32
        %scan3A_41 = arith.constant 1 : i32
        scf.for %scan3A_56 = %scan3A_38 to %scan3A_40 step %scan3A_41  : i32 {
          %jit3A = arith.constant 2 : i32
          %eq3A_57 = arith.constant 0 : i32
          %eq3A_58 = arith.cmpi eq, %jit3A, %eq3A_57 : i32
          %jit3A_59 = arith.constant 1 : i32
          %select_n3A = arith.select %eq3A_58, %jit3A_59, %jit3A : i32
          %rem3A = arith.remsi %scan3A_56, %select_n3A : i32
          %ne3A_60 = arith.constant 0 : i32
          %ne3A_61 = arith.cmpi ne, %rem3A, %ne3A_60 : i32
          %lt3A = arith.constant 0 : i32
          %lt3A_62 = arith.cmpi slt, %rem3A, %lt3A : i32
          %lt3A_63 = arith.constant 0 : i32
          %lt3A_64 = arith.cmpi slt, %select_n3A, %lt3A_63 : i32
          %ne3A_65 = arith.xori %lt3A_62, %lt3A_64 : i1
          %and3A = arith.andi %ne3A_65, %ne3A_61 : i1
          %add3A_66 = arith.addi %rem3A, %select_n3A : i32
          %select_n3A_67 = arith.select %and3A, %add3A_66, %rem3A : i32
          %eq3A_68 = arith.constant 0 : i32
          %eq3A_69 = arith.cmpi eq, %select_n3A_67, %eq3A_68 : i32
          %convert_element_type3A_70 = arith.extui %eq3A_69 : i1 to i32
          %cond3A_71 = arith.constant 0 : i32
          %cond3A_72 = arith.cmpi ne, %convert_element_type3A_70, %cond3A_71 : i32
          scf.if %cond3A_72 {
            %add3A_94 = arith.constant 1 : i32
            %add3A_95 = arith.addi %scan3A_56, %add3A_94 : i32
            %lt3A_96 = arith.constant 125 : i32
            %lt3A_97 = arith.cmpi slt, %add3A_95, %lt3A_96 : i32
            %convert_element_type3A_98 = arith.extui %lt3A_97 : i1 to i32
            %cond3A_99 = arith.constant 0 : i32
            %cond3A_100 = arith.cmpi ne, %convert_element_type3A_98, %cond3A_99 : i32
            scf.if %cond3A_100 {
              %ge3A = arith.constant 1 : i32
              %ge3A_112 = arith.cmpi sge, %scan3A_56, %ge3A : i32
              %convert_element_type3A_113 = arith.extui %ge3A_112 : i1 to i32
              %cond3A_114 = arith.constant 0 : i32
              %cond3A_115 = arith.cmpi ne, %convert_element_type3A_113, %cond3A_114 : i32
              scf.if %cond3A_115 {
                %dma_wait3A_124 = arith.constant 0 : i32
                %dma_wait3A_125 = arith.constant 0 : i32
                %dma_wait3A_126 = tpu.memref_slice %arg8[%dma_wait3A_124, %dma_wait3A_125] : memref<125x80xi32, #tpu.memory_space<vmem>> -> memref<1x80xi32, #tpu.memory_space<vmem>>
                %dma_wait3A_127 = tpu.memref_squeeze %dma_wait3A_126 : memref<1x80xi32, #tpu.memory_space<vmem>> -> memref<80xi32, #tpu.memory_space<vmem>>
                %dma_wait3A_128 = arith.constant 0 : i32
                %dma_wait3A_129 = arith.constant 0 : i32
                %dma_wait3A_130 = tpu.memref_slice %arg15[%dma_wait3A_128, %dma_wait3A_129] : memref<10000x128xf32, #tpu.memory_space<vmem_shared>> -> memref<10000x128xf32, #tpu.memory_space<vmem_shared>>
                tpu.wait_indirect_dma semaphore(%arg14 : memref<!tpu.dma_semaphore, #tpu.memory_space<semaphore_mem>>) src(%arg10 : memref<80x128xf32, #tpu.memory_space<vmem>>) dst(%dma_wait3A_130 : memref<10000x128xf32, #tpu.memory_space<vmem_shared>>)
              } else {
              }
              %add3A_116 = arith.constant 1 : i32
              %add3A_117 = arith.addi %scan3A_56, %add3A_116 : i32
              %mul3A_118 = arith.constant 80 : i32
              %mul3A_119 = arith.muli %add3A_117, %mul3A_118 : i32
              %dma_start3A_120 = tpu.memref_slice %arg7[%mul3A_119] : memref<10000xi32, #tpu.memory_space<vmem>> -> memref<80xi32, #tpu.memory_space<vmem>>
              %dma_start3A_121 = arith.constant 0 : i32
              %dma_start3A_122 = arith.constant 0 : i32
              %dma_start3A_123 = tpu.memref_slice %arg2[%dma_start3A_121, %dma_start3A_122] : memref<10000x128xf32, #tpu.memory_space<hbm>> -> memref<10000x128xf32, #tpu.memory_space<hbm>>
              tpu.enqueue_indirect_dma source(%dma_start3A_123 : memref<10000x128xf32, #tpu.memory_space<hbm>>) target(%arg10 : memref<80x128xf32, #tpu.memory_space<vmem>>) offsets(%dma_start3A_120 : memref<80xi32, #tpu.memory_space<vmem>>) semaphore(%arg12 : memref<!tpu.dma_semaphore, #tpu.memory_space<semaphore_mem>>)
            } else {
            }
            %dma_wait3A_101 = arith.constant 0 : i32
            %dma_wait3A_102 = tpu.memref_slice %arg7[%dma_wait3A_101] : memref<10000xi32, #tpu.memory_space<vmem>> -> memref<80xi32, #tpu.memory_space<vmem>>
            %dma_wait3A_103 = arith.constant 0 : i32
            %dma_wait3A_104 = arith.constant 0 : i32
            %dma_wait3A_105 = tpu.memref_slice %arg2[%dma_wait3A_103, %dma_wait3A_104] : memref<10000x128xf32, #tpu.memory_space<hbm>> -> memref<10000x128xf32, #tpu.memory_space<hbm>>
            tpu.wait_indirect_dma semaphore(%arg11 : memref<!tpu.dma_semaphore, #tpu.memory_space<semaphore_mem>>) src(%dma_wait3A_105 : memref<10000x128xf32, #tpu.memory_space<hbm>>) dst(%arg9 : memref<80x128xf32, #tpu.memory_space<vmem>>)
            %dma_start3A_106 = arith.constant 0 : i32
            %dma_start3A_107 = tpu.memref_slice %arg8[%scan3A_56, %dma_start3A_106] : memref<125x80xi32, #tpu.memory_space<vmem>> -> memref<1x80xi32, #tpu.memory_space<vmem>>
            %dma_start3A_108 = tpu.memref_squeeze %dma_start3A_107 : memref<1x80xi32, #tpu.memory_space<vmem>> -> memref<80xi32, #tpu.memory_space<vmem>>
            %dma_start3A_109 = arith.constant 0 : i32
            %dma_start3A_110 = arith.constant 0 : i32
            %dma_start3A_111 = tpu.memref_slice %arg15[%dma_start3A_109, %dma_start3A_110] : memref<10000x128xf32, #tpu.memory_space<vmem_shared>> -> memref<10000x128xf32, #tpu.memory_space<vmem_shared>>
            tpu.enqueue_indirect_dma source(%arg9 : memref<80x128xf32, #tpu.memory_space<vmem>>) target(%dma_start3A_111 : memref<10000x128xf32, #tpu.memory_space<vmem_shared>>) offsets(%dma_start3A_108 : memref<80xi32, #tpu.memory_space<vmem>>) semaphore(%arg13 : memref<!tpu.dma_semaphore, #tpu.memory_space<semaphore_mem>>) {add = true}
          } else {
          }
          %jit3A_73 = arith.constant 2 : i32
          %eq3A_74 = arith.constant 0 : i32
          %eq3A_75 = arith.cmpi eq, %jit3A_73, %eq3A_74 : i32
          %jit3A_76 = arith.constant 1 : i32
          %select_n3A_77 = arith.select %eq3A_75, %jit3A_76, %jit3A_73 : i32
          %rem3A_78 = arith.remsi %scan3A_56, %select_n3A_77 : i32
          %ne3A_79 = arith.constant 0 : i32
          %ne3A_80 = arith.cmpi ne, %rem3A_78, %ne3A_79 : i32
          %lt3A_81 = arith.constant 0 : i32
          %lt3A_82 = arith.cmpi slt, %rem3A_78, %lt3A_81 : i32
          %lt3A_83 = arith.constant 0 : i32
          %lt3A_84 = arith.cmpi slt, %select_n3A_77, %lt3A_83 : i32
          %ne3A_85 = arith.xori %lt3A_82, %lt3A_84 : i1
          %and3A_86 = arith.andi %ne3A_85, %ne3A_80 : i1
          %add3A_87 = arith.addi %rem3A_78, %select_n3A_77 : i32
          %select_n3A_88 = arith.select %and3A_86, %add3A_87, %rem3A_78 : i32
          %eq3A_89 = arith.constant 1 : i32
          %eq3A_90 = arith.cmpi eq, %select_n3A_88, %eq3A_89 : i32
          %convert_element_type3A_91 = arith.extui %eq3A_90 : i1 to i32
          %cond3A_92 = arith.constant 0 : i32
          %cond3A_93 = arith.cmpi ne, %convert_element_type3A_91, %cond3A_92 : i32
          scf.if %cond3A_93 {
            %add3A_94 = arith.constant 1 : i32
            %add3A_95 = arith.addi %scan3A_56, %add3A_94 : i32
            %lt3A_96 = arith.constant 125 : i32
            %lt3A_97 = arith.cmpi slt, %add3A_95, %lt3A_96 : i32
            %convert_element_type3A_98 = arith.extui %lt3A_97 : i1 to i32
            %cond3A_99 = arith.constant 0 : i32
            %cond3A_100 = arith.cmpi ne, %convert_element_type3A_98, %cond3A_99 : i32
            scf.if %cond3A_100 {
              %dma_wait3A_112 = arith.constant 0 : i32
              %dma_wait3A_113 = arith.constant 0 : i32
              %dma_wait3A_114 = tpu.memref_slice %arg8[%dma_wait3A_112, %dma_wait3A_113] : memref<125x80xi32, #tpu.memory_space<vmem>> -> memref<1x80xi32, #tpu.memory_space<vmem>>
              %dma_wait3A_115 = tpu.memref_squeeze %dma_wait3A_114 : memref<1x80xi32, #tpu.memory_space<vmem>> -> memref<80xi32, #tpu.memory_space<vmem>>
              %dma_wait3A_116 = arith.constant 0 : i32
              %dma_wait3A_117 = arith.constant 0 : i32
              %dma_wait3A_118 = tpu.memref_slice %arg15[%dma_wait3A_116, %dma_wait3A_117] : memref<10000x128xf32, #tpu.memory_space<vmem_shared>> -> memref<10000x128xf32, #tpu.memory_space<vmem_shared>>
              tpu.wait_indirect_dma semaphore(%arg13 : memref<!tpu.dma_semaphore, #tpu.memory_space<semaphore_mem>>) src(%arg9 : memref<80x128xf32, #tpu.memory_space<vmem>>) dst(%dma_wait3A_118 : memref<10000x128xf32, #tpu.memory_space<vmem_shared>>)
              %add3A_119 = arith.constant 1 : i32
              %add3A_120 = arith.addi %scan3A_56, %add3A_119 : i32
              %mul3A_121 = arith.constant 80 : i32
              %mul3A_122 = arith.muli %add3A_120, %mul3A_121 : i32
              %dma_start3A_123 = tpu.memref_slice %arg7[%mul3A_122] : memref<10000xi32, #tpu.memory_space<vmem>> -> memref<80xi32, #tpu.memory_space<vmem>>
              %dma_start3A_124 = arith.constant 0 : i32
              %dma_start3A_125 = arith.constant 0 : i32
              %dma_start3A_126 = tpu.memref_slice %arg2[%dma_start3A_124, %dma_start3A_125] : memref<10000x128xf32, #tpu.memory_space<hbm>> -> memref<10000x128xf32, #tpu.memory_space<hbm>>
              tpu.enqueue_indirect_dma source(%dma_start3A_126 : memref<10000x128xf32, #tpu.memory_space<hbm>>) target(%arg9 : memref<80x128xf32, #tpu.memory_space<vmem>>) offsets(%dma_start3A_123 : memref<80xi32, #tpu.memory_space<vmem>>) semaphore(%arg11 : memref<!tpu.dma_semaphore, #tpu.memory_space<semaphore_mem>>)
            } else {
            }
            %dma_wait3A_101 = arith.constant 80 : i32
            %dma_wait3A_102 = tpu.memref_slice %arg7[%dma_wait3A_101] : memref<10000xi32, #tpu.memory_space<vmem>> -> memref<80xi32, #tpu.memory_space<vmem>>
            %dma_wait3A_103 = arith.constant 0 : i32
            %dma_wait3A_104 = arith.constant 0 : i32
            %dma_wait3A_105 = tpu.memref_slice %arg2[%dma_wait3A_103, %dma_wait3A_104] : memref<10000x128xf32, #tpu.memory_space<hbm>> -> memref<10000x128xf32, #tpu.memory_space<hbm>>
            tpu.wait_indirect_dma semaphore(%arg12 : memref<!tpu.dma_semaphore, #tpu.memory_space<semaphore_mem>>) src(%dma_wait3A_105 : memref<10000x128xf32, #tpu.memory_space<hbm>>) dst(%arg10 : memref<80x128xf32, #tpu.memory_space<vmem>>)
            %dma_start3A_106 = arith.constant 0 : i32
            %dma_start3A_107 = tpu.memref_slice %arg8[%scan3A_56, %dma_start3A_106] : memref<125x80xi32, #tpu.memory_space<vmem>> -> memref<1x80xi32, #tpu.memory_space<vmem>>
            %dma_start3A_108 = tpu.memref_squeeze %dma_start3A_107 : memref<1x80xi32, #tpu.memory_space<vmem>> -> memref<80xi32, #tpu.memory_space<vmem>>
            %dma_start3A_109 = arith.constant 0 : i32
            %dma_start3A_110 = arith.constant 0 : i32
            %dma_start3A_111 = tpu.memref_slice %arg15[%dma_start3A_109, %dma_start3A_110] : memref<10000x128xf32, #tpu.memory_space<vmem_shared>> -> memref<10000x128xf32, #tpu.memory_space<vmem_shared>>
            tpu.enqueue_indirect_dma source(%arg10 : memref<80x128xf32, #tpu.memory_space<vmem>>) target(%dma_start3A_111 : memref<10000x128xf32, #tpu.memory_space<vmem_shared>>) offsets(%dma_start3A_108 : memref<80xi32, #tpu.memory_space<vmem>>) semaphore(%arg14 : memref<!tpu.dma_semaphore, #tpu.memory_space<semaphore_mem>>) {add = true}
          } else {
          }
        }
        %scan3A_42 = arith.constant 125 : i32
        %dma_wait3A = arith.constant 0 : i32
        %dma_wait3A_43 = arith.constant 0 : i32
        %dma_wait3A_44 = tpu.memref_slice %arg8[%dma_wait3A, %dma_wait3A_43] : memref<125x80xi32, #tpu.memory_space<vmem>> -> memref<1x80xi32, #tpu.memory_space<vmem>>
        %dma_wait3A_45 = tpu.memref_squeeze %dma_wait3A_44 : memref<1x80xi32, #tpu.memory_space<vmem>> -> memref<80xi32, #tpu.memory_space<vmem>>
        %dma_wait3A_46 = arith.constant 0 : i32
        %dma_wait3A_47 = arith.constant 0 : i32
        %dma_wait3A_48 = tpu.memref_slice %arg15[%dma_wait3A_46, %dma_wait3A_47] : memref<10000x128xf32, #tpu.memory_space<vmem_shared>> -> memref<10000x128xf32, #tpu.memory_space<vmem_shared>>
        tpu.wait_indirect_dma semaphore(%arg14 : memref<!tpu.dma_semaphore, #tpu.memory_space<semaphore_mem>>) src(%arg10 : memref<80x128xf32, #tpu.memory_space<vmem>>) dst(%dma_wait3A_48 : memref<10000x128xf32, #tpu.memory_space<vmem_shared>>)
        %dma_wait3A_49 = arith.constant 0 : i32
        %dma_wait3A_50 = arith.constant 0 : i32
        %dma_wait3A_51 = tpu.memref_slice %arg8[%dma_wait3A_49, %dma_wait3A_50] : memref<125x80xi32, #tpu.memory_space<vmem>> -> memref<1x80xi32, #tpu.memory_space<vmem>>
        %dma_wait3A_52 = tpu.memref_squeeze %dma_wait3A_51 : memref<1x80xi32, #tpu.memory_space<vmem>> -> memref<80xi32, #tpu.memory_space<vmem>>
        %dma_wait3A_53 = arith.constant 0 : i32
        %dma_wait3A_54 = arith.constant 0 : i32
        %dma_wait3A_55 = tpu.memref_slice %arg15[%dma_wait3A_53, %dma_wait3A_54] : memref<10000x128xf32, #tpu.memory_space<vmem_shared>> -> memref<10000x128xf32, #tpu.memory_space<vmem_shared>>
        tpu.wait_indirect_dma semaphore(%arg13 : memref<!tpu.dma_semaphore, #tpu.memory_space<semaphore_mem>>) src(%arg9 : memref<80x128xf32, #tpu.memory_space<vmem>>) dst(%dma_wait3A_55 : memref<10000x128xf32, #tpu.memory_space<vmem_shared>>)
      }
      %scan3A_27 = arith.constant 2 : i32
    } else {
    }
    %ne3A_11 = arith.constant 0 : i32
    %ne3A_12 = arith.cmpi ne, %arg0, %ne3A_11 : i32
    %convert_element_type3A_13 = arith.extui %ne3A_12 : i1 to i32
    %cond3A_14 = arith.constant 0 : i32
    %cond3A_15 = arith.cmpi ne, %convert_element_type3A_13, %cond3A_14 : i32
    scf.if %cond3A_15 {
      %scan3A = arith.constant 0 : i32
      %scan3A_23 = arith.constant 0 : i32
      %scan3A_24 = arith.constant 2 : i32
      %scan3A_25 = arith.addi %scan3A_23, %scan3A_24 : i32
      %scan3A_26 = arith.constant 1 : i32
      scf.for %scan3A_28 = %scan3A_23 to %scan3A_25 step %scan3A_26  : i32 {
        %mul3A_29 = arith.constant 2 : i32
        %mul3A_30 = arith.muli %arg1, %mul3A_29 : i32
        %add3A = arith.addi %mul3A_30, %scan3A_28 : i32
        %mul3A_31 = arith.constant 10000 : i32
        %mul3A_32 = arith.muli %add3A, %mul3A_31 : i32
        "tpu.region"() ({
          %run_scoped3A = tpu.sem_alloc : memref<!tpu.dma_semaphore, #tpu.memory_space<semaphore_mem>>
          %dma_start3A_56 = tpu.memref_slice %arg4[%mul3A_32] : memref<320000xi32, #tpu.memory_space<hbm>> -> memref<10000xi32, #tpu.memory_space<hbm>>
          %dma_start3A_57 = tpu.memref_slice %arg4[%mul3A_32] : memref<320000xi32, #tpu.memory_space<hbm>> -> memref<10000xi32, #tpu.memory_space<hbm>>
          tpu.enqueue_dma source(%dma_start3A_57 : memref<10000xi32, #tpu.memory_space<hbm>>) target(%arg7 : memref<10000xi32, #tpu.memory_space<vmem>>) target_semaphore(%run_scoped3A : memref<!tpu.dma_semaphore, #tpu.memory_space<semaphore_mem>>)
          %dma_wait3A_58 = tpu.memref_slice %arg4[%mul3A_32] : memref<320000xi32, #tpu.memory_space<hbm>> -> memref<10000xi32, #tpu.memory_space<hbm>>
          %dma_wait3A_59 = tpu.memref_slice %arg4[%mul3A_32] : memref<320000xi32, #tpu.memory_space<hbm>> -> memref<10000xi32, #tpu.memory_space<hbm>>
          tpu.wait_dma2 semaphore(%run_scoped3A : memref<!tpu.dma_semaphore, #tpu.memory_space<semaphore_mem>>) src(%dma_wait3A_59 : memref<10000xi32, #tpu.memory_space<hbm>>) dst(%arg7 : memref<10000xi32, #tpu.memory_space<vmem>>)
          tpu.yield
        }) : () -> ()
        "tpu.region"() ({
          %run_scoped3A = tpu.sem_alloc : memref<!tpu.dma_semaphore, #tpu.memory_space<semaphore_mem>>
          %dma_start3A_56 = arith.constant 0 : i32
          %dma_start3A_57 = arith.constant 0 : i32
          %dma_start3A_58 = tpu.memref_slice %arg5[%add3A, %dma_start3A_56, %dma_start3A_57] : memref<32x125x80xi32, #tpu.memory_space<hbm>> -> memref<1x125x80xi32, #tpu.memory_space<hbm>>
          %dma_start3A_59 = tpu.memref_squeeze %dma_start3A_58 : memref<1x125x80xi32, #tpu.memory_space<hbm>> -> memref<125x80xi32, #tpu.memory_space<hbm>>
          %dma_start3A_60 = arith.constant 0 : i32
          %dma_start3A_61 = arith.constant 0 : i32
          %dma_start3A_62 = tpu.memref_slice %arg5[%add3A, %dma_start3A_60, %dma_start3A_61] : memref<32x125x80xi32, #tpu.memory_space<hbm>> -> memref<1x125x80xi32, #tpu.memory_space<hbm>>
          %dma_start3A_63 = tpu.memref_squeeze %dma_start3A_62 : memref<1x125x80xi32, #tpu.memory_space<hbm>> -> memref<125x80xi32, #tpu.memory_space<hbm>>
          tpu.enqueue_dma source(%dma_start3A_63 : memref<125x80xi32, #tpu.memory_space<hbm>>) target(%arg8 : memref<125x80xi32, #tpu.memory_space<vmem>>) target_semaphore(%run_scoped3A : memref<!tpu.dma_semaphore, #tpu.memory_space<semaphore_mem>>)
          %dma_wait3A_64 = arith.constant 0 : i32
          %dma_wait3A_65 = arith.constant 0 : i32
          %dma_wait3A_66 = tpu.memref_slice %arg5[%add3A, %dma_wait3A_64, %dma_wait3A_65] : memref<32x125x80xi32, #tpu.memory_space<hbm>> -> memref<1x125x80xi32, #tpu.memory_space<hbm>>
          %dma_wait3A_67 = tpu.memref_squeeze %dma_wait3A_66 : memref<1x125x80xi32, #tpu.memory_space<hbm>> -> memref<125x80xi32, #tpu.memory_space<hbm>>
          %dma_wait3A_68 = arith.constant 0 : i32
          %dma_wait3A_69 = arith.constant 0 : i32
          %dma_wait3A_70 = tpu.memref_slice %arg5[%add3A, %dma_wait3A_68, %dma_wait3A_69] : memref<32x125x80xi32, #tpu.memory_space<hbm>> -> memref<1x125x80xi32, #tpu.memory_space<hbm>>
          %dma_wait3A_71 = tpu.memref_squeeze %dma_wait3A_70 : memref<1x125x80xi32, #tpu.memory_space<hbm>> -> memref<125x80xi32, #tpu.memory_space<hbm>>
          tpu.wait_dma2 semaphore(%run_scoped3A : memref<!tpu.dma_semaphore, #tpu.memory_space<semaphore_mem>>) src(%dma_wait3A_71 : memref<125x80xi32, #tpu.memory_space<hbm>>) dst(%arg8 : memref<125x80xi32, #tpu.memory_space<vmem>>)
          tpu.yield
        }) : () -> ()
        %dma_start3A = arith.constant 0 : i32
        %dma_start3A_33 = tpu.memref_slice %arg7[%dma_start3A] : memref<10000xi32, #tpu.memory_space<vmem>> -> memref<80xi32, #tpu.memory_space<vmem>>
        %dma_start3A_34 = arith.constant 0 : i32
        %dma_start3A_35 = arith.constant 0 : i32
        %dma_start3A_36 = tpu.memref_slice %arg3[%dma_start3A_34, %dma_start3A_35] : memref<10000x128xf32, #tpu.memory_space<hbm>> -> memref<10000x128xf32, #tpu.memory_space<hbm>>
        tpu.enqueue_indirect_dma source(%dma_start3A_36 : memref<10000x128xf32, #tpu.memory_space<hbm>>) target(%arg9 : memref<80x128xf32, #tpu.memory_space<vmem>>) offsets(%dma_start3A_33 : memref<80xi32, #tpu.memory_space<vmem>>) semaphore(%arg11 : memref<!tpu.dma_semaphore, #tpu.memory_space<semaphore_mem>>)
        %scan3A_37 = arith.constant 0 : i32
        %scan3A_38 = arith.constant 0 : i32
        %scan3A_39 = arith.constant 125 : i32
        %scan3A_40 = arith.addi %scan3A_38, %scan3A_39 : i32
        %scan3A_41 = arith.constant 1 : i32
        scf.for %scan3A_56 = %scan3A_38 to %scan3A_40 step %scan3A_41  : i32 {
          %jit3A = arith.constant 2 : i32
          %eq3A_57 = arith.constant 0 : i32
          %eq3A_58 = arith.cmpi eq, %jit3A, %eq3A_57 : i32
          %jit3A_59 = arith.constant 1 : i32
          %select_n3A = arith.select %eq3A_58, %jit3A_59, %jit3A : i32
          %rem3A = arith.remsi %scan3A_56, %select_n3A : i32
          %ne3A_60 = arith.constant 0 : i32
          %ne3A_61 = arith.cmpi ne, %rem3A, %ne3A_60 : i32
          %lt3A = arith.constant 0 : i32
          %lt3A_62 = arith.cmpi slt, %rem3A, %lt3A : i32
          %lt3A_63 = arith.constant 0 : i32
          %lt3A_64 = arith.cmpi slt, %select_n3A, %lt3A_63 : i32
          %ne3A_65 = arith.xori %lt3A_62, %lt3A_64 : i1
          %and3A = arith.andi %ne3A_65, %ne3A_61 : i1
          %add3A_66 = arith.addi %rem3A, %select_n3A : i32
          %select_n3A_67 = arith.select %and3A, %add3A_66, %rem3A : i32
          %eq3A_68 = arith.constant 0 : i32
          %eq3A_69 = arith.cmpi eq, %select_n3A_67, %eq3A_68 : i32
          %convert_element_type3A_70 = arith.extui %eq3A_69 : i1 to i32
          %cond3A_71 = arith.constant 0 : i32
          %cond3A_72 = arith.cmpi ne, %convert_element_type3A_70, %cond3A_71 : i32
          scf.if %cond3A_72 {
            %add3A_94 = arith.constant 1 : i32
            %add3A_95 = arith.addi %scan3A_56, %add3A_94 : i32
            %lt3A_96 = arith.constant 125 : i32
            %lt3A_97 = arith.cmpi slt, %add3A_95, %lt3A_96 : i32
            %convert_element_type3A_98 = arith.extui %lt3A_97 : i1 to i32
            %cond3A_99 = arith.constant 0 : i32
            %cond3A_100 = arith.cmpi ne, %convert_element_type3A_98, %cond3A_99 : i32
            scf.if %cond3A_100 {
              %ge3A = arith.constant 1 : i32
              %ge3A_112 = arith.cmpi sge, %scan3A_56, %ge3A : i32
              %convert_element_type3A_113 = arith.extui %ge3A_112 : i1 to i32
              %cond3A_114 = arith.constant 0 : i32
              %cond3A_115 = arith.cmpi ne, %convert_element_type3A_113, %cond3A_114 : i32
              scf.if %cond3A_115 {
                %dma_wait3A_124 = arith.constant 0 : i32
                %dma_wait3A_125 = arith.constant 0 : i32
                %dma_wait3A_126 = tpu.memref_slice %arg8[%dma_wait3A_124, %dma_wait3A_125] : memref<125x80xi32, #tpu.memory_space<vmem>> -> memref<1x80xi32, #tpu.memory_space<vmem>>
                %dma_wait3A_127 = tpu.memref_squeeze %dma_wait3A_126 : memref<1x80xi32, #tpu.memory_space<vmem>> -> memref<80xi32, #tpu.memory_space<vmem>>
                %dma_wait3A_128 = arith.constant 0 : i32
                %dma_wait3A_129 = arith.constant 0 : i32
                %dma_wait3A_130 = tpu.memref_slice %arg15[%dma_wait3A_128, %dma_wait3A_129] : memref<10000x128xf32, #tpu.memory_space<vmem_shared>> -> memref<10000x128xf32, #tpu.memory_space<vmem_shared>>
                tpu.wait_indirect_dma semaphore(%arg14 : memref<!tpu.dma_semaphore, #tpu.memory_space<semaphore_mem>>) src(%arg10 : memref<80x128xf32, #tpu.memory_space<vmem>>) dst(%dma_wait3A_130 : memref<10000x128xf32, #tpu.memory_space<vmem_shared>>)
              } else {
              }
              %add3A_116 = arith.constant 1 : i32
              %add3A_117 = arith.addi %scan3A_56, %add3A_116 : i32
              %mul3A_118 = arith.constant 80 : i32
              %mul3A_119 = arith.muli %add3A_117, %mul3A_118 : i32
              %dma_start3A_120 = tpu.memref_slice %arg7[%mul3A_119] : memref<10000xi32, #tpu.memory_space<vmem>> -> memref<80xi32, #tpu.memory_space<vmem>>
              %dma_start3A_121 = arith.constant 0 : i32
              %dma_start3A_122 = arith.constant 0 : i32
              %dma_start3A_123 = tpu.memref_slice %arg3[%dma_start3A_121, %dma_start3A_122] : memref<10000x128xf32, #tpu.memory_space<hbm>> -> memref<10000x128xf32, #tpu.memory_space<hbm>>
              tpu.enqueue_indirect_dma source(%dma_start3A_123 : memref<10000x128xf32, #tpu.memory_space<hbm>>) target(%arg10 : memref<80x128xf32, #tpu.memory_space<vmem>>) offsets(%dma_start3A_120 : memref<80xi32, #tpu.memory_space<vmem>>) semaphore(%arg12 : memref<!tpu.dma_semaphore, #tpu.memory_space<semaphore_mem>>)
            } else {
            }
            %dma_wait3A_101 = arith.constant 0 : i32
            %dma_wait3A_102 = tpu.memref_slice %arg7[%dma_wait3A_101] : memref<10000xi32, #tpu.memory_space<vmem>> -> memref<80xi32, #tpu.memory_space<vmem>>
            %dma_wait3A_103 = arith.constant 0 : i32
            %dma_wait3A_104 = arith.constant 0 : i32
            %dma_wait3A_105 = tpu.memref_slice %arg3[%dma_wait3A_103, %dma_wait3A_104] : memref<10000x128xf32, #tpu.memory_space<hbm>> -> memref<10000x128xf32, #tpu.memory_space<hbm>>
            tpu.wait_indirect_dma semaphore(%arg11 : memref<!tpu.dma_semaphore, #tpu.memory_space<semaphore_mem>>) src(%dma_wait3A_105 : memref<10000x128xf32, #tpu.memory_space<hbm>>) dst(%arg9 : memref<80x128xf32, #tpu.memory_space<vmem>>)
            %dma_start3A_106 = arith.constant 0 : i32
            %dma_start3A_107 = tpu.memref_slice %arg8[%scan3A_56, %dma_start3A_106] : memref<125x80xi32, #tpu.memory_space<vmem>> -> memref<1x80xi32, #tpu.memory_space<vmem>>
            %dma_start3A_108 = tpu.memref_squeeze %dma_start3A_107 : memref<1x80xi32, #tpu.memory_space<vmem>> -> memref<80xi32, #tpu.memory_space<vmem>>
            %dma_start3A_109 = arith.constant 0 : i32
            %dma_start3A_110 = arith.constant 0 : i32
            %dma_start3A_111 = tpu.memref_slice %arg15[%dma_start3A_109, %dma_start3A_110] : memref<10000x128xf32, #tpu.memory_space<vmem_shared>> -> memref<10000x128xf32, #tpu.memory_space<vmem_shared>>
            tpu.enqueue_indirect_dma source(%arg9 : memref<80x128xf32, #tpu.memory_space<vmem>>) target(%dma_start3A_111 : memref<10000x128xf32, #tpu.memory_space<vmem_shared>>) offsets(%dma_start3A_108 : memref<80xi32, #tpu.memory_space<vmem>>) semaphore(%arg13 : memref<!tpu.dma_semaphore, #tpu.memory_space<semaphore_mem>>) {add = true}
          } else {
          }
          %jit3A_73 = arith.constant 2 : i32
          %eq3A_74 = arith.constant 0 : i32
          %eq3A_75 = arith.cmpi eq, %jit3A_73, %eq3A_74 : i32
          %jit3A_76 = arith.constant 1 : i32
          %select_n3A_77 = arith.select %eq3A_75, %jit3A_76, %jit3A_73 : i32
          %rem3A_78 = arith.remsi %scan3A_56, %select_n3A_77 : i32
          %ne3A_79 = arith.constant 0 : i32
          %ne3A_80 = arith.cmpi ne, %rem3A_78, %ne3A_79 : i32
          %lt3A_81 = arith.constant 0 : i32
          %lt3A_82 = arith.cmpi slt, %rem3A_78, %lt3A_81 : i32
          %lt3A_83 = arith.constant 0 : i32
          %lt3A_84 = arith.cmpi slt, %select_n3A_77, %lt3A_83 : i32
          %ne3A_85 = arith.xori %lt3A_82, %lt3A_84 : i1
          %and3A_86 = arith.andi %ne3A_85, %ne3A_80 : i1
          %add3A_87 = arith.addi %rem3A_78, %select_n3A_77 : i32
          %select_n3A_88 = arith.select %and3A_86, %add3A_87, %rem3A_78 : i32
          %eq3A_89 = arith.constant 1 : i32
          %eq3A_90 = arith.cmpi eq, %select_n3A_88, %eq3A_89 : i32
          %convert_element_type3A_91 = arith.extui %eq3A_90 : i1 to i32
          %cond3A_92 = arith.constant 0 : i32
          %cond3A_93 = arith.cmpi ne, %convert_element_type3A_91, %cond3A_92 : i32
          scf.if %cond3A_93 {
            %add3A_94 = arith.constant 1 : i32
            %add3A_95 = arith.addi %scan3A_56, %add3A_94 : i32
            %lt3A_96 = arith.constant 125 : i32
            %lt3A_97 = arith.cmpi slt, %add3A_95, %lt3A_96 : i32
            %convert_element_type3A_98 = arith.extui %lt3A_97 : i1 to i32
            %cond3A_99 = arith.constant 0 : i32
            %cond3A_100 = arith.cmpi ne, %convert_element_type3A_98, %cond3A_99 : i32
            scf.if %cond3A_100 {
              %dma_wait3A_112 = arith.constant 0 : i32
              %dma_wait3A_113 = arith.constant 0 : i32
              %dma_wait3A_114 = tpu.memref_slice %arg8[%dma_wait3A_112, %dma_wait3A_113] : memref<125x80xi32, #tpu.memory_space<vmem>> -> memref<1x80xi32, #tpu.memory_space<vmem>>
              %dma_wait3A_115 = tpu.memref_squeeze %dma_wait3A_114 : memref<1x80xi32, #tpu.memory_space<vmem>> -> memref<80xi32, #tpu.memory_space<vmem>>
              %dma_wait3A_116 = arith.constant 0 : i32
              %dma_wait3A_117 = arith.constant 0 : i32
              %dma_wait3A_118 = tpu.memref_slice %arg15[%dma_wait3A_116, %dma_wait3A_117] : memref<10000x128xf32, #tpu.memory_space<vmem_shared>> -> memref<10000x128xf32, #tpu.memory_space<vmem_shared>>
              tpu.wait_indirect_dma semaphore(%arg13 : memref<!tpu.dma_semaphore, #tpu.memory_space<semaphore_mem>>) src(%arg9 : memref<80x128xf32, #tpu.memory_space<vmem>>) dst(%dma_wait3A_118 : memref<10000x128xf32, #tpu.memory_space<vmem_shared>>)
              %add3A_119 = arith.constant 1 : i32
              %add3A_120 = arith.addi %scan3A_56, %add3A_119 : i32
              %mul3A_121 = arith.constant 80 : i32
              %mul3A_122 = arith.muli %add3A_120, %mul3A_121 : i32
              %dma_start3A_123 = tpu.memref_slice %arg7[%mul3A_122] : memref<10000xi32, #tpu.memory_space<vmem>> -> memref<80xi32, #tpu.memory_space<vmem>>
              %dma_start3A_124 = arith.constant 0 : i32
              %dma_start3A_125 = arith.constant 0 : i32
              %dma_start3A_126 = tpu.memref_slice %arg3[%dma_start3A_124, %dma_start3A_125] : memref<10000x128xf32, #tpu.memory_space<hbm>> -> memref<10000x128xf32, #tpu.memory_space<hbm>>
              tpu.enqueue_indirect_dma source(%dma_start3A_126 : memref<10000x128xf32, #tpu.memory_space<hbm>>) target(%arg9 : memref<80x128xf32, #tpu.memory_space<vmem>>) offsets(%dma_start3A_123 : memref<80xi32, #tpu.memory_space<vmem>>) semaphore(%arg11 : memref<!tpu.dma_semaphore, #tpu.memory_space<semaphore_mem>>)
            } else {
            }
            %dma_wait3A_101 = arith.constant 80 : i32
            %dma_wait3A_102 = tpu.memref_slice %arg7[%dma_wait3A_101] : memref<10000xi32, #tpu.memory_space<vmem>> -> memref<80xi32, #tpu.memory_space<vmem>>
            %dma_wait3A_103 = arith.constant 0 : i32
            %dma_wait3A_104 = arith.constant 0 : i32
            %dma_wait3A_105 = tpu.memref_slice %arg3[%dma_wait3A_103, %dma_wait3A_104] : memref<10000x128xf32, #tpu.memory_space<hbm>> -> memref<10000x128xf32, #tpu.memory_space<hbm>>
            tpu.wait_indirect_dma semaphore(%arg12 : memref<!tpu.dma_semaphore, #tpu.memory_space<semaphore_mem>>) src(%dma_wait3A_105 : memref<10000x128xf32, #tpu.memory_space<hbm>>) dst(%arg10 : memref<80x128xf32, #tpu.memory_space<vmem>>)
            %dma_start3A_106 = arith.constant 0 : i32
            %dma_start3A_107 = tpu.memref_slice %arg8[%scan3A_56, %dma_start3A_106] : memref<125x80xi32, #tpu.memory_space<vmem>> -> memref<1x80xi32, #tpu.memory_space<vmem>>
            %dma_start3A_108 = tpu.memref_squeeze %dma_start3A_107 : memref<1x80xi32, #tpu.memory_space<vmem>> -> memref<80xi32, #tpu.memory_space<vmem>>
            %dma_start3A_109 = arith.constant 0 : i32
            %dma_start3A_110 = arith.constant 0 : i32
            %dma_start3A_111 = tpu.memref_slice %arg15[%dma_start3A_109, %dma_start3A_110] : memref<10000x128xf32, #tpu.memory_space<vmem_shared>> -> memref<10000x128xf32, #tpu.memory_space<vmem_shared>>
            tpu.enqueue_indirect_dma source(%arg10 : memref<80x128xf32, #tpu.memory_space<vmem>>) target(%dma_start3A_111 : memref<10000x128xf32, #tpu.memory_space<vmem_shared>>) offsets(%dma_start3A_108 : memref<80xi32, #tpu.memory_space<vmem>>) semaphore(%arg14 : memref<!tpu.dma_semaphore, #tpu.memory_space<semaphore_mem>>) {add = true}
          } else {
          }
        }
        %scan3A_42 = arith.constant 125 : i32
        %dma_wait3A = arith.constant 0 : i32
        %dma_wait3A_43 = arith.constant 0 : i32
        %dma_wait3A_44 = tpu.memref_slice %arg8[%dma_wait3A, %dma_wait3A_43] : memref<125x80xi32, #tpu.memory_space<vmem>> -> memref<1x80xi32, #tpu.memory_space<vmem>>
        %dma_wait3A_45 = tpu.memref_squeeze %dma_wait3A_44 : memref<1x80xi32, #tpu.memory_space<vmem>> -> memref<80xi32, #tpu.memory_space<vmem>>
        %dma_wait3A_46 = arith.constant 0 : i32
        %dma_wait3A_47 = arith.constant 0 : i32
        %dma_wait3A_48 = tpu.memref_slice %arg15[%dma_wait3A_46, %dma_wait3A_47] : memref<10000x128xf32, #tpu.memory_space<vmem_shared>> -> memref<10000x128xf32, #tpu.memory_space<vmem_shared>>
        tpu.wait_indirect_dma semaphore(%arg14 : memref<!tpu.dma_semaphore, #tpu.memory_space<semaphore_mem>>) src(%arg10 : memref<80x128xf32, #tpu.memory_space<vmem>>) dst(%dma_wait3A_48 : memref<10000x128xf32, #tpu.memory_space<vmem_shared>>)
        %dma_wait3A_49 = arith.constant 0 : i32
        %dma_wait3A_50 = arith.constant 0 : i32
        %dma_wait3A_51 = tpu.memref_slice %arg8[%dma_wait3A_49, %dma_wait3A_50] : memref<125x80xi32, #tpu.memory_space<vmem>> -> memref<1x80xi32, #tpu.memory_space<vmem>>
        %dma_wait3A_52 = tpu.memref_squeeze %dma_wait3A_51 : memref<1x80xi32, #tpu.memory_space<vmem>> -> memref<80xi32, #tpu.memory_space<vmem>>
        %dma_wait3A_53 = arith.constant 0 : i32
        %dma_wait3A_54 = arith.constant 0 : i32
        %dma_wait3A_55 = tpu.memref_slice %arg15[%dma_wait3A_53, %dma_wait3A_54] : memref<10000x128xf32, #tpu.memory_space<vmem_shared>> -> memref<10000x128xf32, #tpu.memory_space<vmem_shared>>
        tpu.wait_indirect_dma semaphore(%arg13 : memref<!tpu.dma_semaphore, #tpu.memory_space<semaphore_mem>>) src(%arg9 : memref<80x128xf32, #tpu.memory_space<vmem>>) dst(%dma_wait3A_55 : memref<10000x128xf32, #tpu.memory_space<vmem_shared>>)
      }
      %scan3A_27 = arith.constant 2 : i32
    } else {
    }
    %barrier3A_16 = arith.constant 0 : index
    tpu.barrier barrier_id(%barrier3A_16)
    %mul3A = arith.constant 624 : i32
    %mul3A_17 = arith.muli %arg1, %mul3A : i32
    "tpu.region"() ({
      %run_scoped3A = tpu.sem_alloc : memref<!tpu.dma_semaphore, #tpu.memory_space<semaphore_mem>>
      %dma_start3A = arith.constant 0 : i32
      %dma_start3A_23 = tpu.memref_slice %arg6[%arg0, %mul3A_17, %dma_start3A] : memref<2x10000x128xf32, #tpu.memory_space<hbm>> -> memref<1x624x128xf32, #tpu.memory_space<hbm>>
      %dma_start3A_24 = tpu.memref_squeeze %dma_start3A_23 : memref<1x624x128xf32, #tpu.memory_space<hbm>> -> memref<624x128xf32, #tpu.memory_space<hbm>>
      %dma_start3A_25 = arith.constant 0 : i32
      %dma_start3A_26 = tpu.memref_slice %arg15[%mul3A_17, %dma_start3A_25] : memref<10000x128xf32, #tpu.memory_space<vmem_shared>> -> memref<624x128xf32, #tpu.memory_space<vmem_shared>>
      tpu.enqueue_dma source(%dma_start3A_26 : memref<624x128xf32, #tpu.memory_space<vmem_shared>>) target(%dma_start3A_24 : memref<624x128xf32, #tpu.memory_space<hbm>>) target_semaphore(%run_scoped3A : memref<!tpu.dma_semaphore, #tpu.memory_space<semaphore_mem>>)
      %dma_wait3A = arith.constant 0 : i32
      %dma_wait3A_27 = tpu.memref_slice %arg6[%arg0, %mul3A_17, %dma_wait3A] : memref<2x10000x128xf32, #tpu.memory_space<hbm>> -> memref<1x624x128xf32, #tpu.memory_space<hbm>>
      %dma_wait3A_28 = tpu.memref_squeeze %dma_wait3A_27 : memref<1x624x128xf32, #tpu.memory_space<hbm>> -> memref<624x128xf32, #tpu.memory_space<hbm>>
      %dma_wait3A_29 = arith.constant 0 : i32
      %dma_wait3A_30 = tpu.memref_slice %arg15[%mul3A_17, %dma_wait3A_29] : memref<10000x128xf32, #tpu.memory_space<vmem_shared>> -> memref<624x128xf32, #tpu.memory_space<vmem_shared>>
      tpu.wait_dma2 semaphore(%run_scoped3A : memref<!tpu.dma_semaphore, #tpu.memory_space<semaphore_mem>>) src(%dma_wait3A_30 : memref<624x128xf32, #tpu.memory_space<vmem_shared>>) dst(%dma_wait3A_28 : memref<624x128xf32, #tpu.memory_space<hbm>>)
      tpu.yield
    }) : () -> ()
    %eq3A_18 = arith.constant 15 : i32
    %eq3A_19 = arith.cmpi eq, %arg1, %eq3A_18 : i32
    %convert_element_type3A_20 = arith.extui %eq3A_19 : i1 to i32
    %cond3A_21 = arith.constant 0 : i32
    %cond3A_22 = arith.cmpi ne, %convert_element_type3A_20, %cond3A_21 : i32
    scf.if %cond3A_22 {
      "tpu.region"() ({
        %run_scoped3A = tpu.sem_alloc : memref<!tpu.dma_semaphore, #tpu.memory_space<semaphore_mem>>
        %dma_start3A = arith.constant 9984 : i32
        %dma_start3A_23 = arith.constant 0 : i32
        %dma_start3A_24 = tpu.memref_slice %arg6[%arg0, %dma_start3A, %dma_start3A_23] : memref<2x10000x128xf32, #tpu.memory_space<hbm>> -> memref<1x16x128xf32, #tpu.memory_space<hbm>>
        %dma_start3A_25 = tpu.memref_squeeze %dma_start3A_24 : memref<1x16x128xf32, #tpu.memory_space<hbm>> -> memref<16x128xf32, #tpu.memory_space<hbm>>
        %dma_start3A_26 = arith.constant 9984 : i32
        %dma_start3A_27 = arith.constant 0 : i32
        %dma_start3A_28 = tpu.memref_slice %arg15[%dma_start3A_26, %dma_start3A_27] : memref<10000x128xf32, #tpu.memory_space<vmem_shared>> -> memref<16x128xf32, #tpu.memory_space<vmem_shared>>
        tpu.enqueue_dma source(%dma_start3A_28 : memref<16x128xf32, #tpu.memory_space<vmem_shared>>) target(%dma_start3A_25 : memref<16x128xf32, #tpu.memory_space<hbm>>) target_semaphore(%run_scoped3A : memref<!tpu.dma_semaphore, #tpu.memory_space<semaphore_mem>>)
        %dma_wait3A = arith.constant 9984 : i32
        %dma_wait3A_29 = arith.constant 0 : i32
        %dma_wait3A_30 = tpu.memref_slice %arg6[%arg0, %dma_wait3A, %dma_wait3A_29] : memref<2x10000x128xf32, #tpu.memory_space<hbm>> -> memref<1x16x128xf32, #tpu.memory_space<hbm>>
        %dma_wait3A_31 = tpu.memref_squeeze %dma_wait3A_30 : memref<1x16x128xf32, #tpu.memory_space<hbm>> -> memref<16x128xf32, #tpu.memory_space<hbm>>
        %dma_wait3A_32 = arith.constant 9984 : i32
        %dma_wait3A_33 = arith.constant 0 : i32
        %dma_wait3A_34 = tpu.memref_slice %arg15[%dma_wait3A_32, %dma_wait3A_33] : memref<10000x128xf32, #tpu.memory_space<vmem_shared>> -> memref<16x128xf32, #tpu.memory_space<vmem_shared>>
        tpu.wait_dma2 semaphore(%run_scoped3A : memref<!tpu.dma_semaphore, #tpu.memory_space<semaphore_mem>>) src(%dma_wait3A_34 : memref<16x128xf32, #tpu.memory_space<vmem_shared>>) dst(%dma_wait3A_31 : memref<16x128xf32, #tpu.memory_space<hbm>>)
        tpu.yield
      }) : () -> ()
    } else {
    }
    return
  }
}

#map = affine_map<(d0, d1) -> (0, 0)>
#map1 = affine_map<(d0, d1) -> (0)>
#map2 = affine_map<(d0, d1) -> (0, 0, 0)>
module attributes {stable_mosaic.version = 14 : i64} {
  func.func @_sc_agg_x(%arg0: i32, %arg1: i32, %arg2: memref<10000x128xf32, #tpu.memory_space<hbm>>, %arg3: memref<10000x128xf32, #tpu.memory_space<hbm>>, %arg4: memref<320000xi32, #tpu.memory_space<hbm>>, %arg5: memref<32x125x80xi32, #tpu.memory_space<hbm>>, %arg6: memref<2x10000x128xf32, #tpu.memory_space<hbm>>, %arg7: memref<10000xi32, #tpu.memory_space<vmem>>, %arg8: memref<125x80xi32, #tpu.memory_space<vmem>>, %arg9: memref<80x128xf32, #tpu.memory_space<vmem>>, %arg10: memref<80x128xf32, #tpu.memory_space<vmem>>, %arg11: memref<!tpu.dma_semaphore, #tpu.memory_space<semaphore_mem>>, %arg12: memref<!tpu.dma_semaphore, #tpu.memory_space<semaphore_mem>>, %arg13: memref<!tpu.dma_semaphore, #tpu.memory_space<semaphore_mem>>, %arg14: memref<!tpu.dma_semaphore, #tpu.memory_space<semaphore_mem>>, %arg15: memref<10000x128xf32, #tpu.memory_space<vmem_shared>>) attributes {dimension_semantics = [#tpu.dimension_semantics<core_parallel>, #tpu.dimension_semantics<subcore_parallel>], iteration_bounds = array<i64: 2, 16>, scalar_prefetch = 0 : i64, scratch_operands = 9 : i64, tpu.core_type = #tpu.core_type<sc_vector_subcore>, window_params = [{transform_indices = #map}, {transform_indices = #map}, {transform_indices = #map1}, {transform_indices = #map2}, {transform_indices = #map2}]} {
    %mul3A = arith.constant 2 : i32
    %mul3A_0 = arith.muli %arg1, %mul3A : i32
    %add3A = arith.addi %mul3A_0, %arg0 : i32
    %eq3A = arith.constant 0 : i32
    %eq3A_1 = arith.cmpi eq, %arg0, %eq3A : i32
    %convert_element_type3A = arith.extui %eq3A_1 : i1 to i32
    %cond3A = arith.constant 0 : i32
    %cond3A_2 = arith.cmpi ne, %convert_element_type3A, %cond3A : i32
    scf.if %cond3A_2 {
      %mul3A_39 = arith.constant 624 : i32
      %mul3A_40 = arith.muli %arg1, %mul3A_39 : i32
      "tpu.region"() ({
        %run_scoped3A = tpu.sem_alloc : memref<!tpu.dma_semaphore, #tpu.memory_space<semaphore_mem>>
        %dma_start3A_46 = arith.constant 0 : i32
        %dma_start3A_47 = tpu.memref_slice %arg15[%mul3A_40, %dma_start3A_46] : memref<10000x128xf32, #tpu.memory_space<vmem_shared>> -> memref<624x128xf32, #tpu.memory_space<vmem_shared>>
        %dma_start3A_48 = arith.constant 0 : i32
        %dma_start3A_49 = tpu.memref_slice %arg2[%mul3A_40, %dma_start3A_48] : memref<10000x128xf32, #tpu.memory_space<hbm>> -> memref<624x128xf32, #tpu.memory_space<hbm>>
        tpu.enqueue_dma source(%dma_start3A_49 : memref<624x128xf32, #tpu.memory_space<hbm>>) target(%dma_start3A_47 : memref<624x128xf32, #tpu.memory_space<vmem_shared>>) target_semaphore(%run_scoped3A : memref<!tpu.dma_semaphore, #tpu.memory_space<semaphore_mem>>)
        %dma_wait3A_50 = arith.constant 0 : i32
        %dma_wait3A_51 = tpu.memref_slice %arg15[%mul3A_40, %dma_wait3A_50] : memref<10000x128xf32, #tpu.memory_space<vmem_shared>> -> memref<624x128xf32, #tpu.memory_space<vmem_shared>>
        %dma_wait3A_52 = arith.constant 0 : i32
        %dma_wait3A_53 = tpu.memref_slice %arg2[%mul3A_40, %dma_wait3A_52] : memref<10000x128xf32, #tpu.memory_space<hbm>> -> memref<624x128xf32, #tpu.memory_space<hbm>>
        tpu.wait_dma2 semaphore(%run_scoped3A : memref<!tpu.dma_semaphore, #tpu.memory_space<semaphore_mem>>) src(%dma_wait3A_53 : memref<624x128xf32, #tpu.memory_space<hbm>>) dst(%dma_wait3A_51 : memref<624x128xf32, #tpu.memory_space<vmem_shared>>)
        tpu.yield
      }) : () -> ()
      %eq3A_41 = arith.constant 15 : i32
      %eq3A_42 = arith.cmpi eq, %arg1, %eq3A_41 : i32
      %convert_element_type3A_43 = arith.extui %eq3A_42 : i1 to i32
      %cond3A_44 = arith.constant 0 : i32
      %cond3A_45 = arith.cmpi ne, %convert_element_type3A_43, %cond3A_44 : i32
      scf.if %cond3A_45 {
        "tpu.region"() ({
          %run_scoped3A = tpu.sem_alloc : memref<!tpu.dma_semaphore, #tpu.memory_space<semaphore_mem>>
          %dma_start3A_46 = arith.constant 9984 : i32
          %dma_start3A_47 = arith.constant 0 : i32
          %dma_start3A_48 = tpu.memref_slice %arg15[%dma_start3A_46, %dma_start3A_47] : memref<10000x128xf32, #tpu.memory_space<vmem_shared>> -> memref<16x128xf32, #tpu.memory_space<vmem_shared>>
          %dma_start3A_49 = arith.constant 9984 : i32
          %dma_start3A_50 = arith.constant 0 : i32
          %dma_start3A_51 = tpu.memref_slice %arg2[%dma_start3A_49, %dma_start3A_50] : memref<10000x128xf32, #tpu.memory_space<hbm>> -> memref<16x128xf32, #tpu.memory_space<hbm>>
          tpu.enqueue_dma source(%dma_start3A_51 : memref<16x128xf32, #tpu.memory_space<hbm>>) target(%dma_start3A_48 : memref<16x128xf32, #tpu.memory_space<vmem_shared>>) target_semaphore(%run_scoped3A : memref<!tpu.dma_semaphore, #tpu.memory_space<semaphore_mem>>)
          %dma_wait3A_52 = arith.constant 9984 : i32
          %dma_wait3A_53 = arith.constant 0 : i32
          %dma_wait3A_54 = tpu.memref_slice %arg15[%dma_wait3A_52, %dma_wait3A_53] : memref<10000x128xf32, #tpu.memory_space<vmem_shared>> -> memref<16x128xf32, #tpu.memory_space<vmem_shared>>
          %dma_wait3A_55 = arith.constant 9984 : i32
          %dma_wait3A_56 = arith.constant 0 : i32
          %dma_wait3A_57 = tpu.memref_slice %arg2[%dma_wait3A_55, %dma_wait3A_56] : memref<10000x128xf32, #tpu.memory_space<hbm>> -> memref<16x128xf32, #tpu.memory_space<hbm>>
          tpu.wait_dma2 semaphore(%run_scoped3A : memref<!tpu.dma_semaphore, #tpu.memory_space<semaphore_mem>>) src(%dma_wait3A_57 : memref<16x128xf32, #tpu.memory_space<hbm>>) dst(%dma_wait3A_54 : memref<16x128xf32, #tpu.memory_space<vmem_shared>>)
          tpu.yield
        }) : () -> ()
      } else {
      }
    } else {
    }
    %ne3A = arith.constant 0 : i32
    %ne3A_3 = arith.cmpi ne, %arg0, %ne3A : i32
    %convert_element_type3A_4 = arith.extui %ne3A_3 : i1 to i32
    %cond3A_5 = arith.constant 0 : i32
    %cond3A_6 = arith.cmpi ne, %convert_element_type3A_4, %cond3A_5 : i32
    scf.if %cond3A_6 {
      %mul3A_39 = arith.constant 624 : i32
      %mul3A_40 = arith.muli %arg1, %mul3A_39 : i32
      "tpu.region"() ({
        %run_scoped3A = tpu.sem_alloc : memref<!tpu.dma_semaphore, #tpu.memory_space<semaphore_mem>>
        %dma_start3A_46 = arith.constant 0 : i32
        %dma_start3A_47 = tpu.memref_slice %arg15[%mul3A_40, %dma_start3A_46] : memref<10000x128xf32, #tpu.memory_space<vmem_shared>> -> memref<624x128xf32, #tpu.memory_space<vmem_shared>>
        %dma_start3A_48 = arith.constant 0 : i32
        %dma_start3A_49 = tpu.memref_slice %arg3[%mul3A_40, %dma_start3A_48] : memref<10000x128xf32, #tpu.memory_space<hbm>> -> memref<624x128xf32, #tpu.memory_space<hbm>>
        tpu.enqueue_dma source(%dma_start3A_49 : memref<624x128xf32, #tpu.memory_space<hbm>>) target(%dma_start3A_47 : memref<624x128xf32, #tpu.memory_space<vmem_shared>>) target_semaphore(%run_scoped3A : memref<!tpu.dma_semaphore, #tpu.memory_space<semaphore_mem>>)
        %dma_wait3A_50 = arith.constant 0 : i32
        %dma_wait3A_51 = tpu.memref_slice %arg15[%mul3A_40, %dma_wait3A_50] : memref<10000x128xf32, #tpu.memory_space<vmem_shared>> -> memref<624x128xf32, #tpu.memory_space<vmem_shared>>
        %dma_wait3A_52 = arith.constant 0 : i32
        %dma_wait3A_53 = tpu.memref_slice %arg3[%mul3A_40, %dma_wait3A_52] : memref<10000x128xf32, #tpu.memory_space<hbm>> -> memref<624x128xf32, #tpu.memory_space<hbm>>
        tpu.wait_dma2 semaphore(%run_scoped3A : memref<!tpu.dma_semaphore, #tpu.memory_space<semaphore_mem>>) src(%dma_wait3A_53 : memref<624x128xf32, #tpu.memory_space<hbm>>) dst(%dma_wait3A_51 : memref<624x128xf32, #tpu.memory_space<vmem_shared>>)
        tpu.yield
      }) : () -> ()
      %eq3A_41 = arith.constant 15 : i32
      %eq3A_42 = arith.cmpi eq, %arg1, %eq3A_41 : i32
      %convert_element_type3A_43 = arith.extui %eq3A_42 : i1 to i32
      %cond3A_44 = arith.constant 0 : i32
      %cond3A_45 = arith.cmpi ne, %convert_element_type3A_43, %cond3A_44 : i32
      scf.if %cond3A_45 {
        "tpu.region"() ({
          %run_scoped3A = tpu.sem_alloc : memref<!tpu.dma_semaphore, #tpu.memory_space<semaphore_mem>>
          %dma_start3A_46 = arith.constant 9984 : i32
          %dma_start3A_47 = arith.constant 0 : i32
          %dma_start3A_48 = tpu.memref_slice %arg15[%dma_start3A_46, %dma_start3A_47] : memref<10000x128xf32, #tpu.memory_space<vmem_shared>> -> memref<16x128xf32, #tpu.memory_space<vmem_shared>>
          %dma_start3A_49 = arith.constant 9984 : i32
          %dma_start3A_50 = arith.constant 0 : i32
          %dma_start3A_51 = tpu.memref_slice %arg3[%dma_start3A_49, %dma_start3A_50] : memref<10000x128xf32, #tpu.memory_space<hbm>> -> memref<16x128xf32, #tpu.memory_space<hbm>>
          tpu.enqueue_dma source(%dma_start3A_51 : memref<16x128xf32, #tpu.memory_space<hbm>>) target(%dma_start3A_48 : memref<16x128xf32, #tpu.memory_space<vmem_shared>>) target_semaphore(%run_scoped3A : memref<!tpu.dma_semaphore, #tpu.memory_space<semaphore_mem>>)
          %dma_wait3A_52 = arith.constant 9984 : i32
          %dma_wait3A_53 = arith.constant 0 : i32
          %dma_wait3A_54 = tpu.memref_slice %arg15[%dma_wait3A_52, %dma_wait3A_53] : memref<10000x128xf32, #tpu.memory_space<vmem_shared>> -> memref<16x128xf32, #tpu.memory_space<vmem_shared>>
          %dma_wait3A_55 = arith.constant 9984 : i32
          %dma_wait3A_56 = arith.constant 0 : i32
          %dma_wait3A_57 = tpu.memref_slice %arg3[%dma_wait3A_55, %dma_wait3A_56] : memref<10000x128xf32, #tpu.memory_space<hbm>> -> memref<16x128xf32, #tpu.memory_space<hbm>>
          tpu.wait_dma2 semaphore(%run_scoped3A : memref<!tpu.dma_semaphore, #tpu.memory_space<semaphore_mem>>) src(%dma_wait3A_57 : memref<16x128xf32, #tpu.memory_space<hbm>>) dst(%dma_wait3A_54 : memref<16x128xf32, #tpu.memory_space<vmem_shared>>)
          tpu.yield
        }) : () -> ()
      } else {
      }
    } else {
    }
    %mul3A_7 = arith.constant 10000 : i32
    %mul3A_8 = arith.muli %add3A, %mul3A_7 : i32
    "tpu.region"() ({
      %run_scoped3A = tpu.sem_alloc : memref<!tpu.dma_semaphore, #tpu.memory_space<semaphore_mem>>
      %dma_start3A_39 = tpu.memref_slice %arg4[%mul3A_8] : memref<320000xi32, #tpu.memory_space<hbm>> -> memref<10000xi32, #tpu.memory_space<hbm>>
      %dma_start3A_40 = tpu.memref_slice %arg4[%mul3A_8] : memref<320000xi32, #tpu.memory_space<hbm>> -> memref<10000xi32, #tpu.memory_space<hbm>>
      tpu.enqueue_dma source(%dma_start3A_40 : memref<10000xi32, #tpu.memory_space<hbm>>) target(%arg7 : memref<10000xi32, #tpu.memory_space<vmem>>) target_semaphore(%run_scoped3A : memref<!tpu.dma_semaphore, #tpu.memory_space<semaphore_mem>>)
      %dma_wait3A_41 = tpu.memref_slice %arg4[%mul3A_8] : memref<320000xi32, #tpu.memory_space<hbm>> -> memref<10000xi32, #tpu.memory_space<hbm>>
      %dma_wait3A_42 = tpu.memref_slice %arg4[%mul3A_8] : memref<320000xi32, #tpu.memory_space<hbm>> -> memref<10000xi32, #tpu.memory_space<hbm>>
      tpu.wait_dma2 semaphore(%run_scoped3A : memref<!tpu.dma_semaphore, #tpu.memory_space<semaphore_mem>>) src(%dma_wait3A_42 : memref<10000xi32, #tpu.memory_space<hbm>>) dst(%arg7 : memref<10000xi32, #tpu.memory_space<vmem>>)
      tpu.yield
    }) : () -> ()
    "tpu.region"() ({
      %run_scoped3A = tpu.sem_alloc : memref<!tpu.dma_semaphore, #tpu.memory_space<semaphore_mem>>
      %dma_start3A_39 = arith.constant 0 : i32
      %dma_start3A_40 = arith.constant 0 : i32
      %dma_start3A_41 = tpu.memref_slice %arg5[%add3A, %dma_start3A_39, %dma_start3A_40] : memref<32x125x80xi32, #tpu.memory_space<hbm>> -> memref<1x125x80xi32, #tpu.memory_space<hbm>>
      %dma_start3A_42 = tpu.memref_squeeze %dma_start3A_41 : memref<1x125x80xi32, #tpu.memory_space<hbm>> -> memref<125x80xi32, #tpu.memory_space<hbm>>
      %dma_start3A_43 = arith.constant 0 : i32
      %dma_start3A_44 = arith.constant 0 : i32
      %dma_start3A_45 = tpu.memref_slice %arg5[%add3A, %dma_start3A_43, %dma_start3A_44] : memref<32x125x80xi32, #tpu.memory_space<hbm>> -> memref<1x125x80xi32, #tpu.memory_space<hbm>>
      %dma_start3A_46 = tpu.memref_squeeze %dma_start3A_45 : memref<1x125x80xi32, #tpu.memory_space<hbm>> -> memref<125x80xi32, #tpu.memory_space<hbm>>
      tpu.enqueue_dma source(%dma_start3A_46 : memref<125x80xi32, #tpu.memory_space<hbm>>) target(%arg8 : memref<125x80xi32, #tpu.memory_space<vmem>>) target_semaphore(%run_scoped3A : memref<!tpu.dma_semaphore, #tpu.memory_space<semaphore_mem>>)
      %dma_wait3A_47 = arith.constant 0 : i32
      %dma_wait3A_48 = arith.constant 0 : i32
      %dma_wait3A_49 = tpu.memref_slice %arg5[%add3A, %dma_wait3A_47, %dma_wait3A_48] : memref<32x125x80xi32, #tpu.memory_space<hbm>> -> memref<1x125x80xi32, #tpu.memory_space<hbm>>
      %dma_wait3A_50 = tpu.memref_squeeze %dma_wait3A_49 : memref<1x125x80xi32, #tpu.memory_space<hbm>> -> memref<125x80xi32, #tpu.memory_space<hbm>>
      %dma_wait3A_51 = arith.constant 0 : i32
      %dma_wait3A_52 = arith.constant 0 : i32
      %dma_wait3A_53 = tpu.memref_slice %arg5[%add3A, %dma_wait3A_51, %dma_wait3A_52] : memref<32x125x80xi32, #tpu.memory_space<hbm>> -> memref<1x125x80xi32, #tpu.memory_space<hbm>>
      %dma_wait3A_54 = tpu.memref_squeeze %dma_wait3A_53 : memref<1x125x80xi32, #tpu.memory_space<hbm>> -> memref<125x80xi32, #tpu.memory_space<hbm>>
      tpu.wait_dma2 semaphore(%run_scoped3A : memref<!tpu.dma_semaphore, #tpu.memory_space<semaphore_mem>>) src(%dma_wait3A_54 : memref<125x80xi32, #tpu.memory_space<hbm>>) dst(%arg8 : memref<125x80xi32, #tpu.memory_space<vmem>>)
      tpu.yield
    }) : () -> ()
    %barrier3A = arith.constant 0 : index
    tpu.barrier barrier_id(%barrier3A)
    %dma_start3A = arith.constant 0 : i32
    %dma_start3A_9 = tpu.memref_slice %arg7[%dma_start3A] : memref<10000xi32, #tpu.memory_space<vmem>> -> memref<80xi32, #tpu.memory_space<vmem>>
    %dma_start3A_10 = arith.constant 0 : i32
    %dma_start3A_11 = arith.constant 0 : i32
    %dma_start3A_12 = tpu.memref_slice %arg2[%dma_start3A_10, %dma_start3A_11] : memref<10000x128xf32, #tpu.memory_space<hbm>> -> memref<10000x128xf32, #tpu.memory_space<hbm>>
    tpu.enqueue_indirect_dma source(%dma_start3A_12 : memref<10000x128xf32, #tpu.memory_space<hbm>>) target(%arg9 : memref<80x128xf32, #tpu.memory_space<vmem>>) offsets(%dma_start3A_9 : memref<80xi32, #tpu.memory_space<vmem>>) semaphore(%arg11 : memref<!tpu.dma_semaphore, #tpu.memory_space<semaphore_mem>>)
    %scan3A = arith.constant 0 : i32
    %scan3A_13 = arith.constant 0 : i32
    %scan3A_14 = arith.constant 125 : i32
    %scan3A_15 = arith.addi %scan3A_13, %scan3A_14 : i32
    %scan3A_16 = arith.constant 1 : i32
    scf.for %scan3A_39 = %scan3A_13 to %scan3A_15 step %scan3A_16  : i32 {
      %jit3A = arith.constant 2 : i32
      %eq3A_40 = arith.constant 0 : i32
      %eq3A_41 = arith.cmpi eq, %jit3A, %eq3A_40 : i32
      %jit3A_42 = arith.constant 1 : i32
      %select_n3A = arith.select %eq3A_41, %jit3A_42, %jit3A : i32
      %rem3A = arith.remsi %scan3A_39, %select_n3A : i32
      %ne3A_43 = arith.constant 0 : i32
      %ne3A_44 = arith.cmpi ne, %rem3A, %ne3A_43 : i32
      %lt3A = arith.constant 0 : i32
      %lt3A_45 = arith.cmpi slt, %rem3A, %lt3A : i32
      %lt3A_46 = arith.constant 0 : i32
      %lt3A_47 = arith.cmpi slt, %select_n3A, %lt3A_46 : i32
      %ne3A_48 = arith.xori %lt3A_45, %lt3A_47 : i1
      %and3A = arith.andi %ne3A_48, %ne3A_44 : i1
      %add3A_49 = arith.addi %rem3A, %select_n3A : i32
      %select_n3A_50 = arith.select %and3A, %add3A_49, %rem3A : i32
      %eq3A_51 = arith.constant 0 : i32
      %eq3A_52 = arith.cmpi eq, %select_n3A_50, %eq3A_51 : i32
      %convert_element_type3A_53 = arith.extui %eq3A_52 : i1 to i32
      %cond3A_54 = arith.constant 0 : i32
      %cond3A_55 = arith.cmpi ne, %convert_element_type3A_53, %cond3A_54 : i32
      scf.if %cond3A_55 {
        %add3A_77 = arith.constant 1 : i32
        %add3A_78 = arith.addi %scan3A_39, %add3A_77 : i32
        %lt3A_79 = arith.constant 125 : i32
        %lt3A_80 = arith.cmpi slt, %add3A_78, %lt3A_79 : i32
        %convert_element_type3A_81 = arith.extui %lt3A_80 : i1 to i32
        %cond3A_82 = arith.constant 0 : i32
        %cond3A_83 = arith.cmpi ne, %convert_element_type3A_81, %cond3A_82 : i32
        scf.if %cond3A_83 {
          %ge3A = arith.constant 1 : i32
          %ge3A_95 = arith.cmpi sge, %scan3A_39, %ge3A : i32
          %convert_element_type3A_96 = arith.extui %ge3A_95 : i1 to i32
          %cond3A_97 = arith.constant 0 : i32
          %cond3A_98 = arith.cmpi ne, %convert_element_type3A_96, %cond3A_97 : i32
          scf.if %cond3A_98 {
            %dma_wait3A_107 = arith.constant 0 : i32
            %dma_wait3A_108 = arith.constant 0 : i32
            %dma_wait3A_109 = tpu.memref_slice %arg8[%dma_wait3A_107, %dma_wait3A_108] : memref<125x80xi32, #tpu.memory_space<vmem>> -> memref<1x80xi32, #tpu.memory_space<vmem>>
            %dma_wait3A_110 = tpu.memref_squeeze %dma_wait3A_109 : memref<1x80xi32, #tpu.memory_space<vmem>> -> memref<80xi32, #tpu.memory_space<vmem>>
            %dma_wait3A_111 = arith.constant 0 : i32
            %dma_wait3A_112 = arith.constant 0 : i32
            %dma_wait3A_113 = tpu.memref_slice %arg15[%dma_wait3A_111, %dma_wait3A_112] : memref<10000x128xf32, #tpu.memory_space<vmem_shared>> -> memref<10000x128xf32, #tpu.memory_space<vmem_shared>>
            tpu.wait_indirect_dma semaphore(%arg14 : memref<!tpu.dma_semaphore, #tpu.memory_space<semaphore_mem>>) src(%arg10 : memref<80x128xf32, #tpu.memory_space<vmem>>) dst(%dma_wait3A_113 : memref<10000x128xf32, #tpu.memory_space<vmem_shared>>)
          } else {
          }
          %add3A_99 = arith.constant 1 : i32
          %add3A_100 = arith.addi %scan3A_39, %add3A_99 : i32
          %mul3A_101 = arith.constant 80 : i32
          %mul3A_102 = arith.muli %add3A_100, %mul3A_101 : i32
          %dma_start3A_103 = tpu.memref_slice %arg7[%mul3A_102] : memref<10000xi32, #tpu.memory_space<vmem>> -> memref<80xi32, #tpu.memory_space<vmem>>
          %dma_start3A_104 = arith.constant 0 : i32
          %dma_start3A_105 = arith.constant 0 : i32
          %dma_start3A_106 = tpu.memref_slice %arg2[%dma_start3A_104, %dma_start3A_105] : memref<10000x128xf32, #tpu.memory_space<hbm>> -> memref<10000x128xf32, #tpu.memory_space<hbm>>
          tpu.enqueue_indirect_dma source(%dma_start3A_106 : memref<10000x128xf32, #tpu.memory_space<hbm>>) target(%arg10 : memref<80x128xf32, #tpu.memory_space<vmem>>) offsets(%dma_start3A_103 : memref<80xi32, #tpu.memory_space<vmem>>) semaphore(%arg12 : memref<!tpu.dma_semaphore, #tpu.memory_space<semaphore_mem>>)
        } else {
        }
        %dma_wait3A_84 = arith.constant 0 : i32
        %dma_wait3A_85 = tpu.memref_slice %arg7[%dma_wait3A_84] : memref<10000xi32, #tpu.memory_space<vmem>> -> memref<80xi32, #tpu.memory_space<vmem>>
        %dma_wait3A_86 = arith.constant 0 : i32
        %dma_wait3A_87 = arith.constant 0 : i32
        %dma_wait3A_88 = tpu.memref_slice %arg2[%dma_wait3A_86, %dma_wait3A_87] : memref<10000x128xf32, #tpu.memory_space<hbm>> -> memref<10000x128xf32, #tpu.memory_space<hbm>>
        tpu.wait_indirect_dma semaphore(%arg11 : memref<!tpu.dma_semaphore, #tpu.memory_space<semaphore_mem>>) src(%dma_wait3A_88 : memref<10000x128xf32, #tpu.memory_space<hbm>>) dst(%arg9 : memref<80x128xf32, #tpu.memory_space<vmem>>)
        %dma_start3A_89 = arith.constant 0 : i32
        %dma_start3A_90 = tpu.memref_slice %arg8[%scan3A_39, %dma_start3A_89] : memref<125x80xi32, #tpu.memory_space<vmem>> -> memref<1x80xi32, #tpu.memory_space<vmem>>
        %dma_start3A_91 = tpu.memref_squeeze %dma_start3A_90 : memref<1x80xi32, #tpu.memory_space<vmem>> -> memref<80xi32, #tpu.memory_space<vmem>>
        %dma_start3A_92 = arith.constant 0 : i32
        %dma_start3A_93 = arith.constant 0 : i32
        %dma_start3A_94 = tpu.memref_slice %arg15[%dma_start3A_92, %dma_start3A_93] : memref<10000x128xf32, #tpu.memory_space<vmem_shared>> -> memref<10000x128xf32, #tpu.memory_space<vmem_shared>>
        tpu.enqueue_indirect_dma source(%arg9 : memref<80x128xf32, #tpu.memory_space<vmem>>) target(%dma_start3A_94 : memref<10000x128xf32, #tpu.memory_space<vmem_shared>>) offsets(%dma_start3A_91 : memref<80xi32, #tpu.memory_space<vmem>>) semaphore(%arg13 : memref<!tpu.dma_semaphore, #tpu.memory_space<semaphore_mem>>) {add = true}
      } else {
      }
      %jit3A_56 = arith.constant 2 : i32
      %eq3A_57 = arith.constant 0 : i32
      %eq3A_58 = arith.cmpi eq, %jit3A_56, %eq3A_57 : i32
      %jit3A_59 = arith.constant 1 : i32
      %select_n3A_60 = arith.select %eq3A_58, %jit3A_59, %jit3A_56 : i32
      %rem3A_61 = arith.remsi %scan3A_39, %select_n3A_60 : i32
      %ne3A_62 = arith.constant 0 : i32
      %ne3A_63 = arith.cmpi ne, %rem3A_61, %ne3A_62 : i32
      %lt3A_64 = arith.constant 0 : i32
      %lt3A_65 = arith.cmpi slt, %rem3A_61, %lt3A_64 : i32
      %lt3A_66 = arith.constant 0 : i32
      %lt3A_67 = arith.cmpi slt, %select_n3A_60, %lt3A_66 : i32
      %ne3A_68 = arith.xori %lt3A_65, %lt3A_67 : i1
      %and3A_69 = arith.andi %ne3A_68, %ne3A_63 : i1
      %add3A_70 = arith.addi %rem3A_61, %select_n3A_60 : i32
      %select_n3A_71 = arith.select %and3A_69, %add3A_70, %rem3A_61 : i32
      %eq3A_72 = arith.constant 1 : i32
      %eq3A_73 = arith.cmpi eq, %select_n3A_71, %eq3A_72 : i32
      %convert_element_type3A_74 = arith.extui %eq3A_73 : i1 to i32
      %cond3A_75 = arith.constant 0 : i32
      %cond3A_76 = arith.cmpi ne, %convert_element_type3A_74, %cond3A_75 : i32
      scf.if %cond3A_76 {
        %add3A_77 = arith.constant 1 : i32
        %add3A_78 = arith.addi %scan3A_39, %add3A_77 : i32
        %lt3A_79 = arith.constant 125 : i32
        %lt3A_80 = arith.cmpi slt, %add3A_78, %lt3A_79 : i32
        %convert_element_type3A_81 = arith.extui %lt3A_80 : i1 to i32
        %cond3A_82 = arith.constant 0 : i32
        %cond3A_83 = arith.cmpi ne, %convert_element_type3A_81, %cond3A_82 : i32
        scf.if %cond3A_83 {
          %dma_wait3A_95 = arith.constant 0 : i32
          %dma_wait3A_96 = arith.constant 0 : i32
          %dma_wait3A_97 = tpu.memref_slice %arg8[%dma_wait3A_95, %dma_wait3A_96] : memref<125x80xi32, #tpu.memory_space<vmem>> -> memref<1x80xi32, #tpu.memory_space<vmem>>
          %dma_wait3A_98 = tpu.memref_squeeze %dma_wait3A_97 : memref<1x80xi32, #tpu.memory_space<vmem>> -> memref<80xi32, #tpu.memory_space<vmem>>
          %dma_wait3A_99 = arith.constant 0 : i32
          %dma_wait3A_100 = arith.constant 0 : i32
          %dma_wait3A_101 = tpu.memref_slice %arg15[%dma_wait3A_99, %dma_wait3A_100] : memref<10000x128xf32, #tpu.memory_space<vmem_shared>> -> memref<10000x128xf32, #tpu.memory_space<vmem_shared>>
          tpu.wait_indirect_dma semaphore(%arg13 : memref<!tpu.dma_semaphore, #tpu.memory_space<semaphore_mem>>) src(%arg9 : memref<80x128xf32, #tpu.memory_space<vmem>>) dst(%dma_wait3A_101 : memref<10000x128xf32, #tpu.memory_space<vmem_shared>>)
          %add3A_102 = arith.constant 1 : i32
          %add3A_103 = arith.addi %scan3A_39, %add3A_102 : i32
          %mul3A_104 = arith.constant 80 : i32
          %mul3A_105 = arith.muli %add3A_103, %mul3A_104 : i32
          %dma_start3A_106 = tpu.memref_slice %arg7[%mul3A_105] : memref<10000xi32, #tpu.memory_space<vmem>> -> memref<80xi32, #tpu.memory_space<vmem>>
          %dma_start3A_107 = arith.constant 0 : i32
          %dma_start3A_108 = arith.constant 0 : i32
          %dma_start3A_109 = tpu.memref_slice %arg2[%dma_start3A_107, %dma_start3A_108] : memref<10000x128xf32, #tpu.memory_space<hbm>> -> memref<10000x128xf32, #tpu.memory_space<hbm>>
          tpu.enqueue_indirect_dma source(%dma_start3A_109 : memref<10000x128xf32, #tpu.memory_space<hbm>>) target(%arg9 : memref<80x128xf32, #tpu.memory_space<vmem>>) offsets(%dma_start3A_106 : memref<80xi32, #tpu.memory_space<vmem>>) semaphore(%arg11 : memref<!tpu.dma_semaphore, #tpu.memory_space<semaphore_mem>>)
        } else {
        }
        %dma_wait3A_84 = arith.constant 80 : i32
        %dma_wait3A_85 = tpu.memref_slice %arg7[%dma_wait3A_84] : memref<10000xi32, #tpu.memory_space<vmem>> -> memref<80xi32, #tpu.memory_space<vmem>>
        %dma_wait3A_86 = arith.constant 0 : i32
        %dma_wait3A_87 = arith.constant 0 : i32
        %dma_wait3A_88 = tpu.memref_slice %arg2[%dma_wait3A_86, %dma_wait3A_87] : memref<10000x128xf32, #tpu.memory_space<hbm>> -> memref<10000x128xf32, #tpu.memory_space<hbm>>
        tpu.wait_indirect_dma semaphore(%arg12 : memref<!tpu.dma_semaphore, #tpu.memory_space<semaphore_mem>>) src(%dma_wait3A_88 : memref<10000x128xf32, #tpu.memory_space<hbm>>) dst(%arg10 : memref<80x128xf32, #tpu.memory_space<vmem>>)
        %dma_start3A_89 = arith.constant 0 : i32
        %dma_start3A_90 = tpu.memref_slice %arg8[%scan3A_39, %dma_start3A_89] : memref<125x80xi32, #tpu.memory_space<vmem>> -> memref<1x80xi32, #tpu.memory_space<vmem>>
        %dma_start3A_91 = tpu.memref_squeeze %dma_start3A_90 : memref<1x80xi32, #tpu.memory_space<vmem>> -> memref<80xi32, #tpu.memory_space<vmem>>
        %dma_start3A_92 = arith.constant 0 : i32
        %dma_start3A_93 = arith.constant 0 : i32
        %dma_start3A_94 = tpu.memref_slice %arg15[%dma_start3A_92, %dma_start3A_93] : memref<10000x128xf32, #tpu.memory_space<vmem_shared>> -> memref<10000x128xf32, #tpu.memory_space<vmem_shared>>
        tpu.enqueue_indirect_dma source(%arg10 : memref<80x128xf32, #tpu.memory_space<vmem>>) target(%dma_start3A_94 : memref<10000x128xf32, #tpu.memory_space<vmem_shared>>) offsets(%dma_start3A_91 : memref<80xi32, #tpu.memory_space<vmem>>) semaphore(%arg14 : memref<!tpu.dma_semaphore, #tpu.memory_space<semaphore_mem>>) {add = true}
      } else {
      }
    }
    %scan3A_17 = arith.constant 125 : i32
    %dma_wait3A = arith.constant 0 : i32
    %dma_wait3A_18 = arith.constant 0 : i32
    %dma_wait3A_19 = tpu.memref_slice %arg8[%dma_wait3A, %dma_wait3A_18] : memref<125x80xi32, #tpu.memory_space<vmem>> -> memref<1x80xi32, #tpu.memory_space<vmem>>
    %dma_wait3A_20 = tpu.memref_squeeze %dma_wait3A_19 : memref<1x80xi32, #tpu.memory_space<vmem>> -> memref<80xi32, #tpu.memory_space<vmem>>
    %dma_wait3A_21 = arith.constant 0 : i32
    %dma_wait3A_22 = arith.constant 0 : i32
    %dma_wait3A_23 = tpu.memref_slice %arg15[%dma_wait3A_21, %dma_wait3A_22] : memref<10000x128xf32, #tpu.memory_space<vmem_shared>> -> memref<10000x128xf32, #tpu.memory_space<vmem_shared>>
    tpu.wait_indirect_dma semaphore(%arg14 : memref<!tpu.dma_semaphore, #tpu.memory_space<semaphore_mem>>) src(%arg10 : memref<80x128xf32, #tpu.memory_space<vmem>>) dst(%dma_wait3A_23 : memref<10000x128xf32, #tpu.memory_space<vmem_shared>>)
    %dma_wait3A_24 = arith.constant 0 : i32
    %dma_wait3A_25 = arith.constant 0 : i32
    %dma_wait3A_26 = tpu.memref_slice %arg8[%dma_wait3A_24, %dma_wait3A_25] : memref<125x80xi32, #tpu.memory_space<vmem>> -> memref<1x80xi32, #tpu.memory_space<vmem>>
    %dma_wait3A_27 = tpu.memref_squeeze %dma_wait3A_26 : memref<1x80xi32, #tpu.memory_space<vmem>> -> memref<80xi32, #tpu.memory_space<vmem>>
    %dma_wait3A_28 = arith.constant 0 : i32
    %dma_wait3A_29 = arith.constant 0 : i32
    %dma_wait3A_30 = tpu.memref_slice %arg15[%dma_wait3A_28, %dma_wait3A_29] : memref<10000x128xf32, #tpu.memory_space<vmem_shared>> -> memref<10000x128xf32, #tpu.memory_space<vmem_shared>>
    tpu.wait_indirect_dma semaphore(%arg13 : memref<!tpu.dma_semaphore, #tpu.memory_space<semaphore_mem>>) src(%arg9 : memref<80x128xf32, #tpu.memory_space<vmem>>) dst(%dma_wait3A_30 : memref<10000x128xf32, #tpu.memory_space<vmem_shared>>)
    %barrier3A_31 = arith.constant 0 : index
    tpu.barrier barrier_id(%barrier3A_31)
    %mul3A_32 = arith.constant 624 : i32
    %mul3A_33 = arith.muli %arg1, %mul3A_32 : i32
    "tpu.region"() ({
      %run_scoped3A = tpu.sem_alloc : memref<!tpu.dma_semaphore, #tpu.memory_space<semaphore_mem>>
      %dma_start3A_39 = arith.constant 0 : i32
      %dma_start3A_40 = tpu.memref_slice %arg6[%arg0, %mul3A_33, %dma_start3A_39] : memref<2x10000x128xf32, #tpu.memory_space<hbm>> -> memref<1x624x128xf32, #tpu.memory_space<hbm>>
      %dma_start3A_41 = tpu.memref_squeeze %dma_start3A_40 : memref<1x624x128xf32, #tpu.memory_space<hbm>> -> memref<624x128xf32, #tpu.memory_space<hbm>>
      %dma_start3A_42 = arith.constant 0 : i32
      %dma_start3A_43 = tpu.memref_slice %arg15[%mul3A_33, %dma_start3A_42] : memref<10000x128xf32, #tpu.memory_space<vmem_shared>> -> memref<624x128xf32, #tpu.memory_space<vmem_shared>>
      tpu.enqueue_dma source(%dma_start3A_43 : memref<624x128xf32, #tpu.memory_space<vmem_shared>>) target(%dma_start3A_41 : memref<624x128xf32, #tpu.memory_space<hbm>>) target_semaphore(%run_scoped3A : memref<!tpu.dma_semaphore, #tpu.memory_space<semaphore_mem>>)
      %dma_wait3A_44 = arith.constant 0 : i32
      %dma_wait3A_45 = tpu.memref_slice %arg6[%arg0, %mul3A_33, %dma_wait3A_44] : memref<2x10000x128xf32, #tpu.memory_space<hbm>> -> memref<1x624x128xf32, #tpu.memory_space<hbm>>
      %dma_wait3A_46 = tpu.memref_squeeze %dma_wait3A_45 : memref<1x624x128xf32, #tpu.memory_space<hbm>> -> memref<624x128xf32, #tpu.memory_space<hbm>>
      %dma_wait3A_47 = arith.constant 0 : i32
      %dma_wait3A_48 = tpu.memref_slice %arg15[%mul3A_33, %dma_wait3A_47] : memref<10000x128xf32, #tpu.memory_space<vmem_shared>> -> memref<624x128xf32, #tpu.memory_space<vmem_shared>>
      tpu.wait_dma2 semaphore(%run_scoped3A : memref<!tpu.dma_semaphore, #tpu.memory_space<semaphore_mem>>) src(%dma_wait3A_48 : memref<624x128xf32, #tpu.memory_space<vmem_shared>>) dst(%dma_wait3A_46 : memref<624x128xf32, #tpu.memory_space<hbm>>)
      tpu.yield
    }) : () -> ()
    %eq3A_34 = arith.constant 15 : i32
    %eq3A_35 = arith.cmpi eq, %arg1, %eq3A_34 : i32
    %convert_element_type3A_36 = arith.extui %eq3A_35 : i1 to i32
    %cond3A_37 = arith.constant 0 : i32
    %cond3A_38 = arith.cmpi ne, %convert_element_type3A_36, %cond3A_37 : i32
    scf.if %cond3A_38 {
      "tpu.region"() ({
        %run_scoped3A = tpu.sem_alloc : memref<!tpu.dma_semaphore, #tpu.memory_space<semaphore_mem>>
        %dma_start3A_39 = arith.constant 9984 : i32
        %dma_start3A_40 = arith.constant 0 : i32
        %dma_start3A_41 = tpu.memref_slice %arg6[%arg0, %dma_start3A_39, %dma_start3A_40] : memref<2x10000x128xf32, #tpu.memory_space<hbm>> -> memref<1x16x128xf32, #tpu.memory_space<hbm>>
        %dma_start3A_42 = tpu.memref_squeeze %dma_start3A_41 : memref<1x16x128xf32, #tpu.memory_space<hbm>> -> memref<16x128xf32, #tpu.memory_space<hbm>>
        %dma_start3A_43 = arith.constant 9984 : i32
        %dma_start3A_44 = arith.constant 0 : i32
        %dma_start3A_45 = tpu.memref_slice %arg15[%dma_start3A_43, %dma_start3A_44] : memref<10000x128xf32, #tpu.memory_space<vmem_shared>> -> memref<16x128xf32, #tpu.memory_space<vmem_shared>>
        tpu.enqueue_dma source(%dma_start3A_45 : memref<16x128xf32, #tpu.memory_space<vmem_shared>>) target(%dma_start3A_42 : memref<16x128xf32, #tpu.memory_space<hbm>>) target_semaphore(%run_scoped3A : memref<!tpu.dma_semaphore, #tpu.memory_space<semaphore_mem>>)
        %dma_wait3A_46 = arith.constant 9984 : i32
        %dma_wait3A_47 = arith.constant 0 : i32
        %dma_wait3A_48 = tpu.memref_slice %arg6[%arg0, %dma_wait3A_46, %dma_wait3A_47] : memref<2x10000x128xf32, #tpu.memory_space<hbm>> -> memref<1x16x128xf32, #tpu.memory_space<hbm>>
        %dma_wait3A_49 = tpu.memref_squeeze %dma_wait3A_48 : memref<1x16x128xf32, #tpu.memory_space<hbm>> -> memref<16x128xf32, #tpu.memory_space<hbm>>
        %dma_wait3A_50 = arith.constant 9984 : i32
        %dma_wait3A_51 = arith.constant 0 : i32
        %dma_wait3A_52 = tpu.memref_slice %arg15[%dma_wait3A_50, %dma_wait3A_51] : memref<10000x128xf32, #tpu.memory_space<vmem_shared>> -> memref<16x128xf32, #tpu.memory_space<vmem_shared>>
        tpu.wait_dma2 semaphore(%run_scoped3A : memref<!tpu.dma_semaphore, #tpu.memory_space<semaphore_mem>>) src(%dma_wait3A_52 : memref<16x128xf32, #tpu.memory_space<vmem_shared>>) dst(%dma_wait3A_49 : memref<16x128xf32, #tpu.memory_space<hbm>>)
        tpu.yield
      }) : () -> ()
    } else {
    }
    return
  }
}

module attributes {stable_mosaic.version = 14 : i64} {
  func.func @_tc0_body(%arg0: i32, %arg1: memref<1000x128xf32, #tpu.memory_space<vmem>>, %arg2: memref<2x1000x8xf32, #tpu.memory_space<vmem>>, %arg3: memref<1000x128xf32, #tpu.memory_space<vmem>>) attributes {dimension_semantics = [#tpu.dimension_semantics<arbitrary>], iteration_bounds = array<i64: 10>, scalar_prefetch = 0 : i64, scratch_operands = 0 : i64, tpu.core_type = #tpu.core_type<tc>, window_params = [{transform_indices = @transform_0, window_bounds = array<i64: 1000, 128>}, {transform_indices = @transform_1, window_bounds = array<i64: 2, 1000, 8>}, {transform_indices = @transform_2, window_bounds = array<i64: 1000, 128>}]} {
    %get3A = arith.constant 0 : index
    %get3A_0 = arith.constant 0 : index
    %get3A_1 = arith.constant 0 : index
    %get3A_2 = vector.load %arg2[%get3A, %get3A_0, %get3A_1] : memref<2x1000x8xf32, #tpu.memory_space<vmem>>, vector<2x1000x8xf32>
    %slice3A = vector.extract_strided_slice %get3A_2 {offsets = [0, 0, 0], sizes = [1, 1000, 1], strides = [1, 1, 1]} : vector<2x1000x8xf32> to vector<1x1000x1xf32>
    %squeeze3A = vector.shape_cast %slice3A : vector<1x1000x1xf32> to vector<1000x1xf32>
    %slice3A_3 = vector.extract_strided_slice %get3A_2 {offsets = [1, 0, 0], sizes = [1, 1000, 1], strides = [1, 1, 1]} : vector<2x1000x8xf32> to vector<1x1000x1xf32>
    %squeeze3A_4 = vector.shape_cast %slice3A_3 : vector<1x1000x1xf32> to vector<1000x1xf32>
    %add3A = arith.addf %squeeze3A, %squeeze3A_4 : vector<1000x1xf32>
    %add3A_5 = arith.constant 1.000000e+00 : f32
    %add3A_6 = vector.broadcast %add3A_5 : f32 to vector<1000x1xf32>
    %add3A_7 = arith.addf %add3A, %add3A_6 : vector<1000x1xf32>
    %rsqrt3A = math.rsqrt %add3A_7 : vector<1000x1xf32>
    %get3A_8 = arith.constant 0 : index
    %get3A_9 = arith.constant 0 : index
    %get3A_10 = vector.load %arg1[%get3A_8, %get3A_9] : memref<1000x128xf32, #tpu.memory_space<vmem>>, vector<1000x128xf32>
    %mul3A = vector.broadcast %rsqrt3A : vector<1000x1xf32> to vector<1000x128xf32>
    %mul3A_11 = arith.mulf %mul3A, %get3A_10 : vector<1000x128xf32>
    %swap3A = arith.constant 0 : index
    %swap3A_12 = arith.constant 0 : index
    %swap3A_13 = vector.load %arg3[%swap3A, %swap3A_12] : memref<1000x128xf32, #tpu.memory_space<vmem>>, vector<1000x128xf32>
    tpu.vector_store %arg3[%swap3A, %swap3A_12], %mul3A_11 {strides = array<i32>} : memref<1000x128xf32, #tpu.memory_space<vmem>>, vector<1000x128xf32>,
    return
  }
  func.func @transform_0(%arg0: i32) -> (i32, i32) {
    %c0_i32 = arith.constant 0 : i32
    %c0_i32_0 = arith.constant 0 : i32
    return %arg0, %c0_i32 : i32, i32
  }
  func.func @transform_1(%arg0: i32) -> (i32, i32, i32) {
    %c0_i32 = arith.constant 0 : i32
    %c0_i32_0 = arith.constant 0 : i32
    %c0_i32_1 = arith.constant 0 : i32
    return %c0_i32, %arg0, %c0_i32_0 : i32, i32, i32
  }
  func.func @transform_2(%arg0: i32) -> (i32, i32) {
    %c0_i32 = arith.constant 0 : i32
    %c0_i32_0 = arith.constant 0 : i32
    return %arg0, %c0_i32 : i32, i32
  }
}

module attributes {stable_mosaic.version = 14 : i64} {
  func.func @_tc12_body(%arg0: i32, %arg1: memref<2x1000x128xf32, #tpu.memory_space<vmem>>, %arg2: memref<2x1000x8xf32, #tpu.memory_space<vmem>>, %arg3: memref<128x200xf32, #tpu.memory_space<vmem>>, %arg4: memref<1x200xf32, #tpu.memory_space<vmem>>, %arg5: memref<200x200xf32, #tpu.memory_space<vmem>>, %arg6: memref<1000x128xf32, #tpu.memory_space<vmem>>, %arg7: memref<1000x128xf32, #tpu.memory_space<vmem>>) attributes {dimension_semantics = [#tpu.dimension_semantics<arbitrary>], iteration_bounds = array<i64: 10>, scalar_prefetch = 0 : i64, scratch_operands = 0 : i64, tpu.core_type = #tpu.core_type<tc>, window_params = [{transform_indices = @transform_0, window_bounds = array<i64: 2, 1000, 128>}, {transform_indices = @transform_1, window_bounds = array<i64: 2, 1000, 8>}, {pipeline_mode = #tpu.pipeline_mode<synchronous>, transform_indices = @transform_2, window_bounds = array<i64: 128, 200>}, {pipeline_mode = #tpu.pipeline_mode<synchronous>, transform_indices = @transform_3, window_bounds = array<i64: 1, 200>}, {pipeline_mode = #tpu.pipeline_mode<synchronous>, transform_indices = @transform_4, window_bounds = array<i64: 200, 200>}, {transform_indices = @transform_5, window_bounds = array<i64: 1000, 128>}, {transform_indices = @transform_6, window_bounds = array<i64: 1000, 128>}]} {
    %get3A = arith.constant 0 : index
    %get3A_0 = arith.constant 0 : index
    %get3A_1 = arith.constant 0 : index
    %get3A_2 = vector.load %arg2[%get3A, %get3A_0, %get3A_1] : memref<2x1000x8xf32, #tpu.memory_space<vmem>>, vector<2x1000x8xf32>
    %slice3A = vector.extract_strided_slice %get3A_2 {offsets = [0, 0, 0], sizes = [1, 1000, 1], strides = [1, 1, 1]} : vector<2x1000x8xf32> to vector<1x1000x1xf32>
    %squeeze3A = vector.shape_cast %slice3A : vector<1x1000x1xf32> to vector<1000x1xf32>
    %slice3A_3 = vector.extract_strided_slice %get3A_2 {offsets = [1, 0, 0], sizes = [1, 1000, 1], strides = [1, 1, 1]} : vector<2x1000x8xf32> to vector<1x1000x1xf32>
    %squeeze3A_4 = vector.shape_cast %slice3A_3 : vector<1x1000x1xf32> to vector<1000x1xf32>
    %add3A = arith.addf %squeeze3A, %squeeze3A_4 : vector<1000x1xf32>
    %add3A_5 = arith.constant 1.000000e+00 : f32
    %add3A_6 = vector.broadcast %add3A_5 : f32 to vector<1000x1xf32>
    %add3A_7 = arith.addf %add3A, %add3A_6 : vector<1000x1xf32>
    %rsqrt3A = math.rsqrt %add3A_7 : vector<1000x1xf32>
    %get3A_8 = arith.constant 0 : index
    %get3A_9 = arith.constant 0 : index
    %get3A_10 = arith.constant 0 : index
    %get3A_11 = vector.load %arg1[%get3A_8, %get3A_9, %get3A_10] : memref<2x1000x128xf32, #tpu.memory_space<vmem>>, vector<1x1000x128xf32>
    %get3A_12 = vector.shape_cast %get3A_11 : vector<1x1000x128xf32> to vector<1000x128xf32>
    %get3A_13 = arith.constant 1 : index
    %get3A_14 = arith.constant 0 : index
    %get3A_15 = arith.constant 0 : index
    %get3A_16 = vector.load %arg1[%get3A_13, %get3A_14, %get3A_15] : memref<2x1000x128xf32, #tpu.memory_space<vmem>>, vector<1x1000x128xf32>
    %get3A_17 = vector.shape_cast %get3A_16 : vector<1x1000x128xf32> to vector<1000x128xf32>
    %add3A_18 = arith.addf %get3A_12, %get3A_17 : vector<1000x128xf32>
    %get3A_19 = arith.constant 0 : index
    %get3A_20 = arith.constant 0 : index
    %get3A_21 = vector.load %arg3[%get3A_19, %get3A_20] : memref<128x200xf32, #tpu.memory_space<vmem>>, vector<128x200xf32>
    %dot_general3A = arith.constant dense<0.000000e+00> : vector<1000x200xf32>
    %dot_general3A_22 = tpu.matmul %add3A_18, %get3A_21, %dot_general3A {dimension_numbers = #tpu.dot_dimension_numbers<[1], [0], [0], [1], [0, 0, 1, 1], [], []>, transpose_lhs_hint = false} : vector<1000x128xf32>, vector<128x200xf32>, vector<1000x200xf32> -> vector<1000x200xf32>
    %mul3A = vector.broadcast %rsqrt3A : vector<1000x1xf32> to vector<1000x200xf32>
    %mul3A_23 = arith.mulf %mul3A, %dot_general3A_22 : vector<1000x200xf32>
    %get3A_24 = arith.constant 0 : index
    %get3A_25 = arith.constant 0 : index
    %get3A_26 = vector.load %arg4[%get3A_24, %get3A_25] : memref<1x200xf32, #tpu.memory_space<vmem>>, vector<1x200xf32>
    %add3A_27 = vector.broadcast %get3A_26 : vector<1x200xf32> to vector<1000x200xf32>
    %add3A_28 = arith.addf %mul3A_23, %add3A_27 : vector<1000x200xf32>
    %max3A = arith.constant 0.000000e+00 : f32
    %max3A_29 = vector.broadcast %max3A : f32 to vector<1000x200xf32>
    %max3A_30 = arith.maximumf %add3A_28, %max3A_29 : vector<1000x200xf32>
    %get3A_31 = arith.constant 0 : index
    %get3A_32 = arith.constant 0 : index
    %get3A_33 = vector.load %arg5[%get3A_31, %get3A_32] : memref<200x200xf32, #tpu.memory_space<vmem>>, vector<200x200xf32>
    %dot_general3A_34 = arith.constant dense<0.000000e+00> : vector<1000x200xf32>
    %dot_general3A_35 = tpu.matmul %max3A_30, %get3A_33, %dot_general3A_34 {dimension_numbers = #tpu.dot_dimension_numbers<[1], [0], [0], [1], [0, 0, 1, 1], [], []>, transpose_lhs_hint = false} : vector<1000x200xf32>, vector<200x200xf32>, vector<1000x200xf32> -> vector<1000x200xf32>
    %mul3A_36 = vector.broadcast %rsqrt3A : vector<1000x1xf32> to vector<1000x200xf32>
    %mul3A_37 = arith.mulf %mul3A_36, %dot_general3A_35 : vector<1000x200xf32>
    %slice3A_38 = vector.extract_strided_slice %mul3A_37 {offsets = [0, 0], sizes = [1000, 128], strides = [1, 1]} : vector<1000x200xf32> to vector<1000x128xf32>
    %slice3A_39 = vector.extract_strided_slice %mul3A_37 {offsets = [0, 128], sizes = [1000, 72], strides = [1, 1]} : vector<1000x200xf32> to vector<1000x72xf32>
    %broadcast_in_dim3A = arith.constant 0.000000e+00 : f32
    %broadcast_in_dim3A_40 = vector.broadcast %broadcast_in_dim3A : f32 to vector<1000x56xf32>
    %concatenate3A = tpu.concatenate %slice3A_39, %broadcast_in_dim3A_40 in 1 : vector<1000x72xf32>, vector<1000x56xf32> -> vector<1000x128xf32>
    %swap3A = arith.constant 0 : index
    %swap3A_41 = arith.constant 0 : index
    %swap3A_42 = vector.load %arg6[%swap3A, %swap3A_41] : memref<1000x128xf32, #tpu.memory_space<vmem>>, vector<1000x128xf32>
    tpu.vector_store %arg6[%swap3A, %swap3A_41], %slice3A_38 {strides = array<i32>} : memref<1000x128xf32, #tpu.memory_space<vmem>>, vector<1000x128xf32>,
    %swap3A_43 = arith.constant 0 : index
    %swap3A_44 = arith.constant 0 : index
    %swap3A_45 = vector.load %arg7[%swap3A_43, %swap3A_44] : memref<1000x128xf32, #tpu.memory_space<vmem>>, vector<1000x128xf32>
    tpu.vector_store %arg7[%swap3A_43, %swap3A_44], %concatenate3A {strides = array<i32>} : memref<1000x128xf32, #tpu.memory_space<vmem>>, vector<1000x128xf32>,
    return
  }
  func.func @transform_0(%arg0: i32) -> (i32, i32, i32) {
    %c0_i32 = arith.constant 0 : i32
    %c0_i32_0 = arith.constant 0 : i32
    %c0_i32_1 = arith.constant 0 : i32
    return %c0_i32, %arg0, %c0_i32_0 : i32, i32, i32
  }
  func.func @transform_1(%arg0: i32) -> (i32, i32, i32) {
    %c0_i32 = arith.constant 0 : i32
    %c0_i32_0 = arith.constant 0 : i32
    %c0_i32_1 = arith.constant 0 : i32
    return %c0_i32, %arg0, %c0_i32_0 : i32, i32, i32
  }
  func.func @transform_2(%arg0: i32) -> (i32, i32) {
    %c0_i32 = arith.constant 0 : i32
    %c0_i32_0 = arith.constant 0 : i32
    %c0_i32_1 = arith.constant 0 : i32
    return %c0_i32, %c0_i32_0 : i32, i32
  }
  func.func @transform_3(%arg0: i32) -> (i32, i32) {
    %c0_i32 = arith.constant 0 : i32
    %c0_i32_0 = arith.constant 0 : i32
    %c0_i32_1 = arith.constant 0 : i32
    return %c0_i32, %c0_i32_0 : i32, i32
  }
  func.func @transform_4(%arg0: i32) -> (i32, i32) {
    %c0_i32 = arith.constant 0 : i32
    %c0_i32_0 = arith.constant 0 : i32
    %c0_i32_1 = arith.constant 0 : i32
    return %c0_i32, %c0_i32_0 : i32, i32
  }
  func.func @transform_5(%arg0: i32) -> (i32, i32) {
    %c0_i32 = arith.constant 0 : i32
    %c0_i32_0 = arith.constant 0 : i32
    return %arg0, %c0_i32 : i32, i32
  }
  func.func @transform_6(%arg0: i32) -> (i32, i32) {
    %c0_i32 = arith.constant 0 : i32
    %c0_i32_0 = arith.constant 0 : i32
    return %arg0, %c0_i32 : i32, i32
  }
}

module attributes {stable_mosaic.version = 14 : i64} {
  func.func @_tc3_body(%arg0: i32, %arg1: memref<2x1000x128xf32, #tpu.memory_space<vmem>>, %arg2: memref<2x1000x8xf32, #tpu.memory_space<vmem>>, %arg3: memref<1x200xf32, #tpu.memory_space<vmem>>, %arg4: memref<200x100xf32, #tpu.memory_space<vmem>>, %arg5: memref<1x100xf32, #tpu.memory_space<vmem>>, %arg6: memref<1000x128xf32, #tpu.memory_space<vmem>>, %arg7: memref<1000x228xf32, #tpu.memory_space<vmem>>) attributes {dimension_semantics = [#tpu.dimension_semantics<arbitrary>], iteration_bounds = array<i64: 10>, scalar_prefetch = 0 : i64, scratch_operands = 0 : i64, tpu.core_type = #tpu.core_type<tc>, window_params = [{transform_indices = @transform_0, window_bounds = array<i64: 2, 1000, 128>}, {transform_indices = @transform_1, window_bounds = array<i64: 2, 1000, 8>}, {pipeline_mode = #tpu.pipeline_mode<synchronous>, transform_indices = @transform_2, window_bounds = array<i64: 1, 200>}, {pipeline_mode = #tpu.pipeline_mode<synchronous>, transform_indices = @transform_3, window_bounds = array<i64: 200, 100>}, {pipeline_mode = #tpu.pipeline_mode<synchronous>, transform_indices = @transform_4, window_bounds = array<i64: 1, 100>}, {transform_indices = @transform_5, window_bounds = array<i64: 1000, 128>}, {transform_indices = @transform_6, window_bounds = array<i64: 1000, 228>}]} {
    %get3A = arith.constant 0 : index
    %get3A_0 = arith.constant 0 : index
    %get3A_1 = arith.constant 0 : index
    %get3A_2 = vector.load %arg2[%get3A, %get3A_0, %get3A_1] : memref<2x1000x8xf32, #tpu.memory_space<vmem>>, vector<2x1000x8xf32>
    %slice3A = vector.extract_strided_slice %get3A_2 {offsets = [0, 0, 0], sizes = [1, 1000, 1], strides = [1, 1, 1]} : vector<2x1000x8xf32> to vector<1x1000x1xf32>
    %squeeze3A = vector.shape_cast %slice3A : vector<1x1000x1xf32> to vector<1000x1xf32>
    %slice3A_3 = vector.extract_strided_slice %get3A_2 {offsets = [1, 0, 0], sizes = [1, 1000, 1], strides = [1, 1, 1]} : vector<2x1000x8xf32> to vector<1x1000x1xf32>
    %squeeze3A_4 = vector.shape_cast %slice3A_3 : vector<1x1000x1xf32> to vector<1000x1xf32>
    %add3A = arith.addf %squeeze3A, %squeeze3A_4 : vector<1000x1xf32>
    %add3A_5 = arith.constant 1.000000e+00 : f32
    %add3A_6 = vector.broadcast %add3A_5 : f32 to vector<1000x1xf32>
    %add3A_7 = arith.addf %add3A, %add3A_6 : vector<1000x1xf32>
    %rsqrt3A = math.rsqrt %add3A_7 : vector<1000x1xf32>
    %get3A_8 = arith.constant 0 : index
    %get3A_9 = arith.constant 0 : index
    %get3A_10 = arith.constant 0 : index
    %get3A_11 = vector.load %arg1[%get3A_8, %get3A_9, %get3A_10] : memref<2x1000x128xf32, #tpu.memory_space<vmem>>, vector<1x1000x128xf32>
    %get3A_12 = vector.shape_cast %get3A_11 : vector<1x1000x128xf32> to vector<1000x128xf32>
    %get3A_13 = arith.constant 1 : index
    %get3A_14 = arith.constant 0 : index
    %get3A_15 = arith.constant 0 : index
    %get3A_16 = vector.load %arg1[%get3A_13, %get3A_14, %get3A_15] : memref<2x1000x128xf32, #tpu.memory_space<vmem>>, vector<1x1000x72xf32>
    %get3A_17 = vector.shape_cast %get3A_16 : vector<1x1000x72xf32> to vector<1000x72xf32>
    %concatenate3A = tpu.concatenate %get3A_12, %get3A_17 in 1 : vector<1000x128xf32>, vector<1000x72xf32> -> vector<1000x200xf32>
    %mul3A = vector.broadcast %rsqrt3A : vector<1000x1xf32> to vector<1000x200xf32>
    %mul3A_18 = arith.mulf %mul3A, %concatenate3A : vector<1000x200xf32>
    %get3A_19 = arith.constant 0 : index
    %get3A_20 = arith.constant 0 : index
    %get3A_21 = vector.load %arg3[%get3A_19, %get3A_20] : memref<1x200xf32, #tpu.memory_space<vmem>>, vector<1x200xf32>
    %add3A_22 = vector.broadcast %get3A_21 : vector<1x200xf32> to vector<1000x200xf32>
    %add3A_23 = arith.addf %mul3A_18, %add3A_22 : vector<1000x200xf32>
    %max3A = arith.constant 0.000000e+00 : f32
    %max3A_24 = vector.broadcast %max3A : f32 to vector<1000x200xf32>
    %max3A_25 = arith.maximumf %add3A_23, %max3A_24 : vector<1000x200xf32>
    %get3A_26 = arith.constant 0 : index
    %get3A_27 = arith.constant 0 : index
    %get3A_28 = vector.load %arg4[%get3A_26, %get3A_27] : memref<200x100xf32, #tpu.memory_space<vmem>>, vector<200x100xf32>
    %dot_general3A = arith.constant dense<0.000000e+00> : vector<1000x100xf32>
    %dot_general3A_29 = tpu.matmul %max3A_25, %get3A_28, %dot_general3A {dimension_numbers = #tpu.dot_dimension_numbers<[1], [0], [0], [1], [0, 0, 1, 1], [], []>, transpose_lhs_hint = false} : vector<1000x200xf32>, vector<200x100xf32>, vector<1000x100xf32> -> vector<1000x100xf32>
    %get3A_30 = arith.constant 0 : index
    %get3A_31 = arith.constant 0 : index
    %get3A_32 = vector.load %arg6[%get3A_30, %get3A_31] : memref<1000x128xf32, #tpu.memory_space<vmem>>, vector<1000x128xf32>
    %swap3A = arith.constant 0 : index
    %swap3A_33 = arith.constant 0 : index
    %swap3A_34 = vector.load %arg7[%swap3A, %swap3A_33] : memref<1000x228xf32, #tpu.memory_space<vmem>>, vector<1000x128xf32>
    tpu.vector_store %arg7[%swap3A, %swap3A_33], %get3A_32 {strides = array<i32>} : memref<1000x228xf32, #tpu.memory_space<vmem>>, vector<1000x128xf32>,
    %get3A_35 = arith.constant 0 : index
    %get3A_36 = arith.constant 0 : index
    %get3A_37 = vector.load %arg5[%get3A_35, %get3A_36] : memref<1x100xf32, #tpu.memory_space<vmem>>, vector<1x100xf32>
    %add3A_38 = vector.broadcast %get3A_37 : vector<1x100xf32> to vector<1000x100xf32>
    %add3A_39 = arith.addf %dot_general3A_29, %add3A_38 : vector<1000x100xf32>
    %swap3A_40 = arith.constant 0 : index
    %swap3A_41 = arith.constant 128 : index
    %swap3A_42 = vector.load %arg7[%swap3A_40, %swap3A_41] : memref<1000x228xf32, #tpu.memory_space<vmem>>, vector<1000x100xf32>
    tpu.vector_store %arg7[%swap3A_40, %swap3A_41], %add3A_39 {strides = array<i32>} : memref<1000x228xf32, #tpu.memory_space<vmem>>, vector<1000x100xf32>,
    return
  }
  func.func @transform_0(%arg0: i32) -> (i32, i32, i32) {
    %c0_i32 = arith.constant 0 : i32
    %c0_i32_0 = arith.constant 0 : i32
    %c0_i32_1 = arith.constant 0 : i32
    return %c0_i32, %arg0, %c0_i32_0 : i32, i32, i32
  }
  func.func @transform_1(%arg0: i32) -> (i32, i32, i32) {
    %c0_i32 = arith.constant 0 : i32
    %c0_i32_0 = arith.constant 0 : i32
    %c0_i32_1 = arith.constant 0 : i32
    return %c0_i32, %arg0, %c0_i32_0 : i32, i32, i32
  }
  func.func @transform_2(%arg0: i32) -> (i32, i32) {
    %c0_i32 = arith.constant 0 : i32
    %c0_i32_0 = arith.constant 0 : i32
    %c0_i32_1 = arith.constant 0 : i32
    return %c0_i32, %c0_i32_0 : i32, i32
  }
  func.func @transform_3(%arg0: i32) -> (i32, i32) {
    %c0_i32 = arith.constant 0 : i32
    %c0_i32_0 = arith.constant 0 : i32
    %c0_i32_1 = arith.constant 0 : i32
    return %c0_i32, %c0_i32_0 : i32, i32
  }
  func.func @transform_4(%arg0: i32) -> (i32, i32) {
    %c0_i32 = arith.constant 0 : i32
    %c0_i32_0 = arith.constant 0 : i32
    %c0_i32_1 = arith.constant 0 : i32
    return %c0_i32, %c0_i32_0 : i32, i32
  }
  func.func @transform_5(%arg0: i32) -> (i32, i32) {
    %c0_i32 = arith.constant 0 : i32
    %c0_i32_0 = arith.constant 0 : i32
    return %arg0, %c0_i32 : i32, i32
  }
  func.func @transform_6(%arg0: i32) -> (i32, i32) {
    %c0_i32 = arith.constant 0 : i32
    %c0_i32_0 = arith.constant 0 : i32
    return %arg0, %c0_i32 : i32, i32
  }
}

</mosaic_0001>

<sc_bundles>
// kernel: kernel.11.cloned.1.call-start
scs
__scs_entry_jumppad:
0x0: {  	(pc) =	sbr.rel $0x88, $3  }
0x1: {  	(tag) =	ssettag $0x0;
	lr =	simm.s32 $0x1  }
0x2: {  	[smem:$0x3F98] =	sst lr;
	_ =	strace $0xD0000000  }
0x3: {  	_ = 	snop  }
0x4: {  	_ = 	snop  }
0x5: {  	_ = 	snop  }
0x6: {  	_ = 	snop  }
0x7: {  	_ = 	snop  }
__scs_overlays_trampoline_lowered:
0x8: {  	[smem:$0x3FA7] =	sst s0  }
0x9: {  	[smem:$0x3FA8] =	sst s1  }
0xa: {  	[smem:$0x3FA9] =	sst s2  }
0xb: {  	[smem:$0x3FAA] =	sst s3  }
0xc: {  	[smem:$0x3FAB] =	sst s4  }
0xd: {  	[smem:$0x3FAC] =	sst s5  }
0xe: {  	[smem:$0x3FAD] =	sst s6  }
0xf: {  	[smem:$0x3FAE] =	sst s7  }
0x10: {  	[smem:$0x3FAF] =	sst s8  }
0x11: {  	[smem:$0x3FB0] =	sst s9;
	s0 =	simm.s32 @!p0 $0x0  }
0x12: {  	s1 =	sld [smem:$0x3F96];
	s0 =	simm.s32 @p0 $0x1  }
0x13: {  	[smem:$0x3FB1] =	sst s0;
	s0 =	simm.s32 @!p1 $0x0  }
0x14: {  	s2 =	sld [smem:$0x3F95];
	s0 =	simm.s32 @p1 $0x1  }
0x15: {  	[smem:$0x3FB2] =	sst s0;
	s0 =	simm.s32 @!p2 $0x0  }
0x16: {  	s3 =	sld [smem:$0x3FDB];
	s0 =	simm.s32 @p2 $0x1  }
0x17: {  	s4 =	simm.s32 $0x1BF5;
	[smem:$0x3FB4] =	sst s0  }
0x18: {  	s0 =	sld [smem:$0x3F97];
	_ =	swait.ge [sflag:s4], $0x0  }
0x19: {  	s7 =	sld [smem:$0x3F98]  }
0x1a: {  	s8 =	sadd.s32 $0xFFFFE003, lr  }
0x1b: {  	s9 =	sadd.s32 $0xFFFFFEF7, lr;
	s5 =	simm.s32 $0xFFFFFFFF;
	p2 =	slt.u32 s8, $0xFFFFF086  }
0x1c: {  	p1 =	slt.u32 s9, $0xF7A;
	s5 =	simm.s32 @!p2 $0x0  }
0x1d: {  	s5 =	simm.s32 @p1 $0x1;
	p0 =	seq.s32 s7, s2  }
0x1e: {  	s7 =	smul.u32 @!p0 $0xF7A, s2;
	p2 =	seq.s32 @!p0 s5, $0x0  }
0x1f: {  	s9 =	smul.u32 $0xF7A, s1;
	s8 =	simm.s32 @!p0 $0x1BF5;
	p2 =	por !p2, p0  }
0x20: {  	[sflag:s8] =	ssyncset.s32 @!p0 $0xFFFFF086;
	s6 =	sadd.s32 @!p0 s3, s7;
	s7 =	simm.s32 @!p0 $0x108  }
0x21: {  	s3 =	sadd.s32 s3, s9;
	s6 =	sadd.s32 @!p0 $0x88, s6;
	s7 =	simm.s32 @p2 $0x1082  }
0x22: {  	[simem:s7], [sflag:s8] =	dma.local @!p0 [hbm:s6], $0xF7A  }
0x23: {  	s9 =	sor.u32 $0xD0000000, s2;
	s6 =	simm.s32 $0x108;
	_ =	swait.ge @!p0 [sflag:s8], $0x0  }
0x24: {  	s3 =	sadd.s32 $0x88, s3;
	s6 =	simm.s32 @!p1 $0x1082;
	[sflag:s4] =	ssyncset.s32 $0xFFFFF086  }
0x25: {  	[simem:s6], [sflag:s4] =	dma.local [hbm:s3], $0xF7A  }
0x26: {  	[smem:$0x3F98] =	sst s1;
	(tag) =	ssettag s2;
	_ =	strace s9  }
0x27: {  	s1 =	sld [smem:$0x3FA8]  }
0x28: {  	s2 =	sld [smem:$0x3FA9]  }
0x29: {  	s4 =	sld [smem:$0x3FAB]  }
0x2a: {  	p0 =	seq.s32 s5, $0x0;
	s5 =	sld [smem:$0x3FAC]  }
0x2b: {  	s6 =	sld [smem:$0x3FAD]  }
0x2c: {  	s7 =	sld [smem:$0x3FAE]  }
0x2d: {  	s3 =	simm.s32 $0x108;
	s8 =	sld [smem:$0x3FAF]  }
0x2e: {  	s3 =	simm.s32 @!p0 $0x1082;
	s9 =	sld [smem:$0x3FB0]  }
0x2f: {  	lr =	sadd.s32 s0, s3;
	s0 =	sld [smem:$0x3FA7]  }
0x30: {  	s3 =	sld [smem:$0x3FAA]  }
0x31: {  	[smem:$0x3FB3] =	sst s10  }
0x32: {  	s10 =	sld [smem:$0x3FB1];
	_ =	sdelay $0x3  }
0x33: {  	p0 =	seq.s32 s10, $0x1;
	s10 =	sld [smem:$0x3FB3];
	_ =	sdelay $0x3  }
0x34: {  	[smem:$0x3FB3] =	sst s10  }
0x35: {  	s10 =	sld [smem:$0x3FB2];
	_ =	sdelay $0x3  }
0x36: {  	p1 =	seq.s32 s10, $0x1;
	s10 =	sld [smem:$0x3FB3];
	_ =	sdelay $0x3  }
0x37: {  	[smem:$0x3FB3] =	sst s10  }
0x38: {  	s10 =	sld [smem:$0x3FB4]  }
0x39: {  	_ = 	snop;
	(pc) =	sbr.ind lr, $3  }
0x3a: {  	_ = 	snop  }
0x3b: {  	_ = 	snop  }
0x3c: {  	p2 =	seq.s32 s10, $0x1;
	s10 =	sld [smem:$0x3FB3]  }
0x3d: {  	_ =	shalt  }
0x3e: {  	_ =	shalt  }
0x3f: {  	_ =	shalt  }
0x40: {  	_ =	shalt  }
0x41: {  	_ =	shalt  }
0x42: {  	_ =	shalt  }
0x43: {  	_ =	shalt  }
0x44: {  	_ =	shalt  }
0x45: {  	_ =	shalt  }
0x46: {  	_ =	shalt  }
0x47: {  	_ =	shalt  }
0x48: {  	_ =	shalt  }
0x49: {  	_ =	shalt  }
0x4a: {  	_ =	shalt  }
0x4b: {  	_ =	shalt  }
0x4c: {  	_ =	shalt  }
0x4d: {  	_ =	shalt  }
0x4e: {  	_ =	shalt  }
0x4f: {  	_ =	shalt  }
0x50: {  	_ =	shalt  }
0x51: {  	_ =	shalt  }
0x52: {  	_ =	shalt  }
0x53: {  	_ =	shalt  }
0x54: {  	_ =	shalt  }
0x55: {  	_ =	shalt  }
0x56: {  	_ =	shalt  }
0x57: {  	_ =	shalt  }
0x58: {  	_ =	shalt  }
0x59: {  	_ =	shalt  }
0x5a: {  	_ =	shalt  }
0x5b: {  	_ =	shalt  }
0x5c: {  	_ =	shalt  }
0x5d: {  	_ =	shalt  }
0x5e: {  	_ =	shalt  }
0x5f: {  	_ =	shalt  }
0x60: {  	_ =	shalt  }
0x61: {  	_ =	shalt  }
0x62: {  	_ =	shalt  }
0x63: {  	_ =	shalt  }
0x64: {  	_ =	shalt  }
0x65: {  	_ =	shalt  }
0x66: {  	_ =	shalt  }
0x67: {  	_ =	shalt  }
0x68: {  	_ =	shalt  }
0x69: {  	_ =	shalt  }
0x6a: {  	_ =	shalt  }
0x6b: {  	_ =	shalt  }
0x6c: {  	_ =	shalt  }
0x6d: {  	_ =	shalt  }
0x6e: {  	_ =	shalt  }
0x6f: {  	_ =	shalt  }
0x70: {  	_ =	shalt  }
0x71: {  	_ =	shalt  }
0x72: {  	_ =	shalt  }
0x73: {  	_ =	shalt  }
0x74: {  	_ =	shalt  }
0x75: {  	_ =	shalt  }
0x76: {  	_ =	shalt  }
0x77: {  	_ =	shalt  }
0x78: {  	_ =	shalt  }
0x79: {  	_ =	shalt  }
0x7a: {  	_ =	shalt  }
0x7b: {  	_ =	shalt  }
0x7c: {  	_ =	shalt  }
0x7d: {  	_ =	shalt  }
0x7e: {  	_ =	shalt  }
0x7f: {  	_ =	shalt  }
0x80: {  	_ =	shalt  }
0x81: {  	_ =	shalt  }
0x82: {  	_ =	shalt  }
0x83: {  	_ =	shalt  }
0x84: {  	_ =	shalt  }
0x85: {  	_ =	shalt  }
0x86: {  	_ =	shalt  }
0x87: {  	_ =	shalt  }
.Lfunc_end0:
.L_simem_size_0:
called_computation.1_lowered:
.L_overlay_start_0:
0x88: {  	s2 =	sld [smem:$0x3FD9]  }
0x89: {  	s3 =	sld [smem:$0x3FFE];
	_ =	sdelay $0x1  }
0x8a: {  	s1 =	srdreg.scid  }
0x8b: {  	s0 =	sand.u32 $0x1, s1  }
0x8c: {  	s17 =	sshll.u32 s0, $0xA;
	s2 =	sadd.s32 s3, s2  }
0x8d: {  	s2 =	sadd.s32 s2, s17  }
0x8e: {  	[smem:$0x3FBF] =	sst s2  }
0x8f: {  	_ = 	snop  }
0x90: {  	s2 =	sld [smem:$0x3FD0];
	(tm) =	ssettm $0x1  }
0x91: {  	s18 =	sld [smem:$0x3FFB];
	_ =	sdelay $0x3  }
0x92: {  	_ =	strace s18  }
0x93: {  	s3 =	sld [smem:$0x3FFC];
	_ =	sdelay $0x3  }
0x94: {  	_ =	strace s3  }
0x95: {  	s3 =	sld [smem:$0x3FFD];
	_ =	sdelay $0x3  }
0x96: {  	_ =	strace s3  }
0x97: {  	_ =	strace $0x8FFFFFFF  }
0x98: {  	s19 =	sld [smem:$0x3FDB];
	_ =	sdelay $0x1  }
0x99: {  	s4 =	simm.s32 $_scs_section_size  }
0x9a: {  	s5 =	simm.s32 $_size__tile_overlayer_lowered;
	s6 =	simm.s32 $_tile_overlayer_lowered  }
0x9b: {  	s22 =	simm.s32 $0x1BFF;
	s21 =	sshll.u32 s6, $0x1;
	s3 =	sadd.s32 s4, s19  }
0x9c: {  	s7 =	simm.s32 $0x0;
	s20 =	sshll.u32 s5, $0x1;
	s5 =	sadd.s32 s21, s3  }
0x9d: {  	[timem:s7], [sflag:s22] =	dma.local [hbm:s5], s20  }
0x9e: {  	_ =	swait.ge [sflag:s22], s20  }
0x9f: {  	s4 =	ssub.s32 $0x0, s20;
	[sflag:s22] =	ssyncset.done $0x0  }
0xa0: {  	[sflag:s22] =	ssyncadd.s32 s4;
	_ =	sdelay $0x1  }
0xa1: {  	s23 =	simm.s32 $0x1B8B  }
0xa2: {  	_ =	swait.ge [sflag:s23], $0x1  }
0xa3: {  	[sflag:s23] =	ssyncset.done $0x0  }
0xa4: {  	s25 =	simm.s32 $0x1B8E;
	s24 =	sld [smem:$0x3FFE];
	[sflag:s23] =	ssyncadd.s32 $0xFFFFFFFF  }
0xa5: {  	s26 =	simm.s32 $execute0_lowered;
	[smem:$0x3FD2] =	sst s25  }
0xa6: {  	s5 =	sshll.u32 s26, $0x1;
	_ =	strace $0x80000049;
	[dreg:$0x1] =	wrdreg $0xFFFFFFFF  }
0xa7: {  	s28 =	simm.s32 $_size_execute0_lowered;
	s3 =	sadd.s32 s3, s5;
	[dreg:$0x0] =	wrdreg $0x0  }
0xa8: {  	s5 =	sshll.u32 s28, $0x1;
	[dreg:$0x2] =	wrdreg s3  }
0xa9: {  	[dreg:$0x3] =	wrdreg s5  }
0xaa: {  	[dreg:$0x4] =	wrdreg $0xC0  }
0xab: {  	_ =	task [dreg:s7], $0x5FFFF  }
0xac: {  	[dreg:$0x1] =	wrdreg $0xFFFFFFFF  }
0xad: {  	[dreg:$0x0] =	wrdreg $0x60  }
0xae: {  	[dreg:$0x2] =	wrdreg s2  }
0xaf: {  	[dreg:$0x3] =	wrdreg s24  }
0xb0: {  	[dreg:$0x4] =	wrdreg $0x9E200  }
0xb1: {  	[dreg:$0x5] =	wrdreg $0x9  }
0xb2: {  	_ =	task.clear_ibuf [dreg:s7], $0x6FFFF;
	_ =	strace $0x90000049  }
0xb3: {  	s29 =	simm.s32 $0x9;
	_ =	strace $0x8000004B  }
0xb4: {  	_ =	swait.ge [sflag:s29], $0x1  }
0xb5: {  	[sflag:s29] =	ssyncadd.s32 $0xFFFFFFFF  }
0xb6: {  	_ =	strace $0x9000004B  }
0xb7: {  	_ =	sfence  }
0xb8: {  	s30 =	sld [smem:$0x0];
	_ =	sdelay $0x2  }
0xb9: {  	s31 =	sshll.u32 s1, $0xD;
	s1 =	sshrl.u32 s1, $0x2  }
0xba: {  	s3 =	sand.u32 $0x4000, s31;
	s1 =	sadd.s32 s1, s30  }
0xbb: {  	s0 =	sor.u32 s3, s0;
	s1 =	sshll.u32 s1, $0x11  }
0xbc: {  	s0 =	sor.u32 s1, s0  }
0xbd: {  	s0 =	sadd.s32 $0x8F2B, s0  }
0xbe: {  	[sflag:s0] =	ssyncadd.remote.s32 $0x1  }
0xbf: {  	_ =	sfence.sel $0xFFFF  }
0xc0: {  	[dreg:$0x0] =	wrdreg $0xFFFFFFFF;
	(pc) =	sbr.abs _section_cstart, $3  }
0xc1: {  	[dreg:$0x1] =	wrdreg $0xFFFFFFFF  }
0xc2: {  	_ =	task.clear_ibuf [dreg:s7], $0x2FFFF;
	_ =	strace $0x9FFFFFFF  }
0xc3: {  	(tm) =	ssettm $0x7FFFFFFF  }
tec
execute0_lowered:
.L_overlay_start_1:
0x0: {  	(tag) =	ssettag $0x1  }
0x1: {  	s1 =	rddreg [dreg:$0x0]  }
0x2: {  	s0 =	rddreg [dreg:$0x1]  }
0x3: {  	s3 =	rddreg [dreg:$0x2];
	s5 =	srdreg.scid  }
0x4: {  	s2 =	stileid.u32;
	s4 =	simm.s32 $0x0;
	s17 =	simm.s32 $0x5  }
0x5: {  	s19 =	simm.s32 $0x2710;
	s20 =	simm.s32 $0x50;
	s21 =	simm.s32 $0x4E20  }
0x6: {  	s22 =	simm.s32 $0x3;
	s23 =	simm.s32 $0x2;
	s24 =	simm.s32 $0x7620  }
0x7: {  	s25 =	simm.s32 $0x1;
	s26 =	simm.s32 $0x4DD0;
	s28 =	simm.s32 $0x4  }
0x8: {  	s14 =	sand.u32 $0x1, s5;
	s30 =	sshll.u32 s2, $0x1;
	[smem:$0x7FF] =	sst s4  }
0x9: {  	s9 =	smul.u32 $0x13800, s2;
	p1 =	seq.s32 s2, $0xF;
	p2 =	sne.s32 s2, $0xF  }
0xa: {  	s5 =	sor.u32 s14, s30;
	_ =	strace $0x8000004A;
	s7 =	ssub.s32 $0x2, s14  }
0xb: {  	s11 =	smul.u32 $0x138800, s14;
	p0 =	sne.s32 s14, $0x0;
	s14 =	sshll.u32 s2, $0x6  }
0xc: {  	s6 =	smul.u32 $0x4E2, s5;
	s5 =	sadd.s32 $0x64A00, s0;
	s31 =	sshrl.u32 s7, $0x1  }
0xd: {  	s8 =	sshrl.u32 s9, $0x3;
	s16 =	sadd.s32 s9, s3;
	s13 =	ssub.s32 s7, s31  }
0xe: {  	s7 =	sadd.s32 $0x138000, s3;
	s12 =	sadd.s32 s9, s11;
	s11 =	sshrl.u32 s11, $0x3  }
.Ltmp0:
0xf: {  	s16 =	sshrl.u32 s16, $0x3;
	s10 =	sadd.s32 s6, s0;
	(pc) =	sbr.rel .LBB2_1-.Ltmp0, $4  }
0x10: {  	s0 =	sadd.s32 $0x8BC00, s0;
	s6 =	sadd.s32 s5, s8;
	s8 =	sadd.s32 s1, s8  }
0x11: {  	s12 =	sshrl.u32 s12, $0x3;
	s13 =	smax.u32 s13, $0x1;
	s18 =	sshrl.u32 s7, $0x3  }
0x12: {  	s9 =	sadd.s32 $0x2C00, s10;
	s15 =	sadd.s32 s0, s11;
	s10 =	sadd.s32 $0xCA00, s10  }
0x13: {  	s11 =	sadd.s32 s0, s12;
	s12 =	sadd.s32 $0x27000, s15;
	s15 =	sor.u32 $0x1C05, s14  }
.LBB2_14:
0x14: {  	_ =	swait.ge [sflag:s25], $0x2800  }
0x15: {  	[sflag:s25] =	ssyncset.done $0x0  }
0x16: {  	[sflag:s25] =	ssyncadd.s32 $0xFFFFD800  }
0x17: {  	[spmem:s3] =	stream.indirect.scatter.add.f32 [tilespmem:s21], [sflag:$0x3], $0x80, s26, s20, $0xb8;
	[tilespmem:$0x1D6A0] =	vst v63  }
0x18: {  	_ =	swait.ge [sflag:s28], $0x2800  }
0x19: {  	[sflag:s28] =	ssyncset.done $0x0  }
0x1a: {  	[sflag:s28] =	ssyncadd.s32 $0xFFFFD800  }
0x1b: {  	_ =	swait.ge [sflag:s22], $0x2800  }
0x1c: {  	[sflag:s22] =	ssyncset.done $0x0  }
0x1d: {  	[sflag:s22] =	ssyncadd.s32 $0xFFFFD800  }
0x1e: {  	s0 =	sor.u32 $0x1C05, s14;
	[bflag:$0x0] =	sbarrier.arrive $0xFFFF  }
0x1f: {  	[hbm:s11], [sflag:s0] =	dma.local [spmem:s16], $0x2700  }
0x20: {  	_ =	swait.ge [sflag:s17], $0x2700  }
0x21: {  	s4 =	sadd.s32 $0x1, s4;
	[sflag:s17] =	ssyncset.done $0x0  }
0x22: {  	s29 =	sshrl.u32 @!p2 s7, $0x3;
	p3 =	sne.s32 s4, s13;
	[sflag:s17] =	ssyncadd.s32 $0xFFFFD900  }
0x23: {  	[hbm:s12], [sflag:s0] =	dma.local @!p2 [spmem:s29], $0x100  }
.Ltmp1:
0x24: {  	_ = 	snop;
	(pc) =	sbr.rel @!p3 .LBB2_15-.Ltmp1, $4  }
0x25: {  	s0 =	simm.s32 @!p2 $0x5  }
0x26: {  	_ =	swait.ge @!p2 [sflag:s0], $0x100  }
0x27: {  	[sflag:s0] =	ssyncset.done @!p2 $0x0  }
0x28: {  	[sflag:s0] =	ssyncadd.s32 @!p2 $0xFFFFFF00  }
.LBB2_1:
.Ltmp2:
0x29: {  	(pc) =	sbr.rel @p0 .LBB2_3-.Ltmp2, $1  }
0x2a: {  	_ =	sdelay $0x3  }
0x2b: {  	[spmem:s16], [sflag:s15] =	dma.local [hbm:s8], $0x2700  }
.Ltmp3:
0x2c: {  	_ = 	snop;
	(pc) =	sbr.rel @p1 .LBB2_4-.Ltmp3, $4  }
.Ltmp4:
0x2d: {  	_ = 	snop;
	(pc) =	sbr.rel @!p1 .LBB2_5-.Ltmp4, $4  }
0x2e: {  	_ =	swait.ge [sflag:s17], $0x2700  }
0x2f: {  	[sflag:s17] =	ssyncset.done $0x0  }
0x30: {  	s30 =	smov.u32 s1;
	s29 =	smov.u32 s15;
	[sflag:s17] =	ssyncadd.s32 $0xFFFFD900  }
0x31: {  	_ = 	snop  }
.LBB2_3:
.Ltmp5:
0x32: {  	s29 =	sor.u32 $0x1C05, s14;
	(pc) =	sbr.rel @p2 .LBB2_5-.Ltmp5, $4  }
0x33: {  	[spmem:s16], [sflag:s29] =	dma.local [hbm:s6], $0x2700  }
0x34: {  	_ =	swait.ge [sflag:s17], $0x2700  }
0x35: {  	[sflag:s17] =	ssyncset.done $0x0  }
0x36: {  	s30 =	smov.u32 s5;
	[sflag:s17] =	ssyncadd.s32 $0xFFFFD900  }
.LBB2_4:
0x37: {  	s0 =	sadd.s32 $0x27000, s30  }
0x38: {  	[spmem:s18], [sflag:s29] =	dma.local [hbm:s0], $0x100  }
0x39: {  	_ =	swait.ge [sflag:s17], $0x100  }
0x3a: {  	[sflag:s17] =	ssyncset.done $0x0  }
0x3b: {  	[sflag:s17] =	ssyncadd.s32 $0xFFFFFF00  }
.LBB2_5:
0x3c: {  	s29 =	simm.s32 $0x0  }
0x3d: {  	[tilespmem:s29], [sflag:$0x5] =	stream.linear.gather [hbm4b:s9+s29], $0x2710, $0x38;
	[tilespmem:$0x1D6A0] =	vst v63  }
0x3e: {  	_ =	swait.ge [sflag:s17], $0x2710  }
0x3f: {  	[sflag:s17] =	ssyncset.done $0x0  }
0x40: {  	[sflag:s17] =	ssyncadd.s32 $0xFFFFD8F0  }
0x41: {  	[tilespmem:s19], [sflag:$0x5] =	stream.linear.gather [hbm4b:s10+s29], $0x2710, $0x38;
	[tilespmem:$0x1D6A0] =	vst v63  }
.Ltmp6:
0x42: {  	_ =	swait.ge [sflag:s17], $0x2710;
	(pc) =	sbr.rel .LBB2_6-.Ltmp6, $4  }
0x43: {  	[sflag:s17] =	ssyncset.done $0x0  }
0x44: {  	[sflag:s17] =	ssyncadd.s32 $0xFFFFD8F0  }
0x45: {  	s30 =	simm.s32 $0x0;
	[bflag:$0x0] =	sbarrier.arrive $0xFFFF  }
0x46: {  	[tilespmem:s21], [sflag:$0x1] =	stream.indirect.gather [hbm4b:s1+s20], $0x80, s29, s20, $0xb8;
	[tilespmem:$0x1D6A0] =	vst v63  }
.LBB2_12:
0x47: {  	_ =	swait.ge [sflag:s22], $0x2800  }
0x48: {  	s0 =	sshra.s32 s29, $0x2;
	[sflag:s22] =	ssyncset.done $0x0  }
0x49: {  	s31 =	sadd.s32 $0x50, s0;
	[sflag:s22] =	ssyncadd.s32 $0xFFFFD800  }
0x4a: {  	[tilespmem:s21], [sflag:$0x1] =	stream.indirect.gather [hbm4b:s1+s20], $0x80, s31, s20, $0xb8;
	[tilespmem:$0x1D6A0] =	vst v63  }
0x4b: {  	_ =	swait.ge [sflag:s23], $0x2800  }
0x4c: {  	[sflag:s23] =	ssyncset.done $0x0  }
0x4d: {  	s0 =	sadd.s32 $0x2710, s0;
	[sflag:s23] =	ssyncadd.s32 $0xFFFFD800  }
0x4e: {  	[spmem:s3] =	stream.indirect.scatter.add.f32 [tilespmem:s24], [sflag:$0x4], $0x80, s0, s20, $0xb8;
	[tilespmem:$0x1D6A0] =	vst v63  }
.LBB2_13:
0x4f: {  	s30 =	sadd.s32 $0x1, s30  }
0x50: {  	p3 =	sne.s32 s30, $0x7C  }
.Ltmp7:
0x51: {  	_ = 	snop;
	(pc) =	sbr.rel @!p3 .LBB2_14-.Ltmp7, $2  }
0x52: {  	_ =	sdelay $0x2  }
0x53: {  	s29 =	sadd.s32 $0x140, s29  }
.LBB2_6:
0x54: {  	s31 =	sand.u32 $0x1, s30  }
0x55: {  	p3 =	seq.s32 s31, $0x1  }
.Ltmp8:
0x56: {  	_ = 	snop;
	(pc) =	sbr.rel @p3 .LBB2_12-.Ltmp8, $1  }
0x57: {  	_ =	sdelay $0x3  }
0x58: {  	p3 =	seq.s32 s30, $0x0  }
.Ltmp9:
0x59: {  	_ = 	snop;
	(pc) =	sbr.rel @p3 .LBB2_10-.Ltmp9, $1  }
0x5a: {  	_ =	sdelay $0x3  }
0x5b: {  	p3 =	seq.s32 s30, $0x7C  }
.Ltmp10:
0x5c: {  	_ = 	snop;
	(pc) =	sbr.rel @p3 .LBB2_11-.Ltmp10, $2  }
0x5d: {  	_ =	sdelay $0x2  }
0x5e: {  	s0 =	simm.s32 $0x9B00  }
0x5f: {  	_ =	swait.ge [sflag:s28], $0x2800  }
0x60: {  	[sflag:s28] =	ssyncset.done $0x0  }
0x61: {  	[sflag:s28] =	ssyncadd.s32 $0xFFFFD800  }
.LBB2_10:
0x62: {  	s0 =	sshra.s32 s29, $0x2  }
0x63: {  	s0 =	sadd.s32 $0x50, s0  }
0x64: {  	[tilespmem:s24], [sflag:$0x2] =	stream.indirect.gather [hbm4b:s1+s20], $0x80, s0, s20, $0xb8;
	[tilespmem:$0x1D6A0] =	vst v63  }
0x65: {  	s0 =	smov.u32 s29  }
.LBB2_11:
0x66: {  	p3 =	seq.s32 s31, $0x0  }
.Ltmp11:
0x67: {  	_ = 	snop;
	(pc) =	sbr.rel @p3 .LBB2_13-.Ltmp11, $4  }
.Ltmp12:
0x68: {  	_ =	swait.ge [sflag:s25], $0x2800;
	(pc) =	sbr.rel @!p3 .LBB2_12-.Ltmp12, $4  }
0x69: {  	s0 =	sshra.s32 s0, $0x2;
	[sflag:s25] =	ssyncset.done $0x0  }
0x6a: {  	s0 =	sadd.s32 $0x2710, s0;
	[sflag:s25] =	ssyncadd.s32 $0xFFFFD800  }
0x6b: {  	[spmem:s3] =	stream.indirect.scatter.add.f32 [tilespmem:s21], [sflag:$0x3], $0x80, s0, s20, $0xb8;
	[tilespmem:$0x1D6A0] =	vst v63  }
0x6c: {  	_ = 	snop  }
.LBB2_15:
0x6d: {  	_ =	sfence.sel $0x180000  }
0x6e: {  	[bflag:$0x0] =	sbarrier.arrive $0xFFFF  }
0x6f: {  	_ =	strace $0x9000004A  }
0x70: {  	[bflag:$0x2] =	sbarrier.arrive $0xFFFF  }
0x71: {  	p0 =	sne.s32 s2, $0x0;
	s0 =	rddreg [dreg:$0x3]  }
0x72: {  	s0 =	sadd.s32 @!p0 $0x100000, s0  }
0x73: {  	[sflag:s0] =	ssyncadd.tile.s32 @!p0 $0x1;
	_ =	shalt  }
.Lfunc_end2:
_tile_overlayer_lowered:
.L_overlay_start_2:
0x74: {  	(tag) =	ssettag $0x2  }
0x75: {  	s0 =	rddreg [dreg:$0x0];
	s2 =	stileid.u32  }
0x76: {  	s1 =	rddreg [dreg:$0x1];
	p0 =	sne.s32 s2, $0x0  }
0x77: {  	s3 =	rddreg [dreg:$0x2];
	[bflag:$0x3] =	sbarrier.arrive $0xFFFF;
	s2 =	simm.s32 @!p0 $0x1C05  }
0x78: {  	[timem:s3], [sflag:s2] =	dma.local @!p0 [hbm:s0], s1  }
0x79: {  	s0 =	simm.s32 @!p0 $0x5  }
0x7a: {  	_ =	swait.ge @!p0 [sflag:s0], s1  }
0x7b: {  	s1 =	ssub.s32 @!p0 $0x0, s1;
	[sflag:s0] =	ssyncset.done @!p0 $0x0  }
0x7c: {  	[sflag:s0] =	ssyncadd.s32 @!p0 s1  }
0x7d: {  	[bflag:$0x3] =	sbarrier.arrive $0xFFFF  }
0x7e: {  	_ =	shalt  }

// kernel: kernel.14.cloned.1.call-start
scs
__scs_entry_jumppad:
0x0: {  	(pc) =	sbr.rel $0x88, $3  }
0x1: {  	(tag) =	ssettag $0x0;
	lr =	simm.s32 $0x1  }
0x2: {  	[smem:$0x3F98] =	sst lr;
	_ =	strace $0xD0000000  }
0x3: {  	_ = 	snop  }
0x4: {  	_ = 	snop  }
0x5: {  	_ = 	snop  }
0x6: {  	_ = 	snop  }
0x7: {  	_ = 	snop  }
__scs_overlays_trampoline_lowered:
0x8: {  	[smem:$0x3FA7] =	sst s0  }
0x9: {  	[smem:$0x3FA8] =	sst s1  }
0xa: {  	[smem:$0x3FA9] =	sst s2  }
0xb: {  	[smem:$0x3FAA] =	sst s3  }
0xc: {  	[smem:$0x3FAB] =	sst s4  }
0xd: {  	[smem:$0x3FAC] =	sst s5  }
0xe: {  	[smem:$0x3FAD] =	sst s6  }
0xf: {  	[smem:$0x3FAE] =	sst s7  }
0x10: {  	[smem:$0x3FAF] =	sst s8  }
0x11: {  	[smem:$0x3FB0] =	sst s9;
	s0 =	simm.s32 @!p0 $0x0  }
0x12: {  	s1 =	sld [smem:$0x3F96];
	s0 =	simm.s32 @p0 $0x1  }
0x13: {  	[smem:$0x3FB1] =	sst s0;
	s0 =	simm.s32 @!p1 $0x0  }
0x14: {  	s2 =	sld [smem:$0x3F95];
	s0 =	simm.s32 @p1 $0x1  }
0x15: {  	[smem:$0x3FB2] =	sst s0;
	s0 =	simm.s32 @!p2 $0x0  }
0x16: {  	s3 =	sld [smem:$0x3FDB];
	s0 =	simm.s32 @p2 $0x1  }
0x17: {  	s4 =	simm.s32 $0x1BF5;
	[smem:$0x3FB4] =	sst s0  }
0x18: {  	s0 =	sld [smem:$0x3F97];
	_ =	swait.ge [sflag:s4], $0x0  }
0x19: {  	s7 =	sld [smem:$0x3F98]  }
0x1a: {  	s8 =	sadd.s32 $0xFFFFE003, lr  }
0x1b: {  	s9 =	sadd.s32 $0xFFFFFEF7, lr;
	s5 =	simm.s32 $0xFFFFFFFF;
	p2 =	slt.u32 s8, $0xFFFFF086  }
0x1c: {  	p1 =	slt.u32 s9, $0xF7A;
	s5 =	simm.s32 @!p2 $0x0  }
0x1d: {  	s5 =	simm.s32 @p1 $0x1;
	p0 =	seq.s32 s7, s2  }
0x1e: {  	s7 =	smul.u32 @!p0 $0xF7A, s2;
	p2 =	seq.s32 @!p0 s5, $0x0  }
0x1f: {  	s9 =	smul.u32 $0xF7A, s1;
	s8 =	simm.s32 @!p0 $0x1BF5;
	p2 =	por !p2, p0  }
0x20: {  	[sflag:s8] =	ssyncset.s32 @!p0 $0xFFFFF086;
	s6 =	sadd.s32 @!p0 s3, s7;
	s7 =	simm.s32 @!p0 $0x108  }
0x21: {  	s3 =	sadd.s32 s3, s9;
	s6 =	sadd.s32 @!p0 $0x88, s6;
	s7 =	simm.s32 @p2 $0x1082  }
0x22: {  	[simem:s7], [sflag:s8] =	dma.local @!p0 [hbm:s6], $0xF7A  }
0x23: {  	s9 =	sor.u32 $0xD0000000, s2;
	s6 =	simm.s32 $0x108;
	_ =	swait.ge @!p0 [sflag:s8], $0x0  }
0x24: {  	s3 =	sadd.s32 $0x88, s3;
	s6 =	simm.s32 @!p1 $0x1082;
	[sflag:s4] =	ssyncset.s32 $0xFFFFF086  }
0x25: {  	[simem:s6], [sflag:s4] =	dma.local [hbm:s3], $0xF7A  }
0x26: {  	[smem:$0x3F98] =	sst s1;
	(tag) =	ssettag s2;
	_ =	strace s9  }
0x27: {  	s1 =	sld [smem:$0x3FA8]  }
0x28: {  	s2 =	sld [smem:$0x3FA9]  }
0x29: {  	s4 =	sld [smem:$0x3FAB]  }
0x2a: {  	p0 =	seq.s32 s5, $0x0;
	s5 =	sld [smem:$0x3FAC]  }
0x2b: {  	s6 =	sld [smem:$0x3FAD]  }
0x2c: {  	s7 =	sld [smem:$0x3FAE]  }
0x2d: {  	s3 =	simm.s32 $0x108;
	s8 =	sld [smem:$0x3FAF]  }
0x2e: {  	s3 =	simm.s32 @!p0 $0x1082;
	s9 =	sld [smem:$0x3FB0]  }
0x2f: {  	lr =	sadd.s32 s0, s3;
	s0 =	sld [smem:$0x3FA7]  }
0x30: {  	s3 =	sld [smem:$0x3FAA]  }
0x31: {  	[smem:$0x3FB3] =	sst s10  }
0x32: {  	s10 =	sld [smem:$0x3FB1];
	_ =	sdelay $0x3  }
0x33: {  	p0 =	seq.s32 s10, $0x1;
	s10 =	sld [smem:$0x3FB3];
	_ =	sdelay $0x3  }
0x34: {  	[smem:$0x3FB3] =	sst s10  }
0x35: {  	s10 =	sld [smem:$0x3FB2];
	_ =	sdelay $0x3  }
0x36: {  	p1 =	seq.s32 s10, $0x1;
	s10 =	sld [smem:$0x3FB3];
	_ =	sdelay $0x3  }
0x37: {  	[smem:$0x3FB3] =	sst s10  }
0x38: {  	s10 =	sld [smem:$0x3FB4]  }
0x39: {  	_ = 	snop;
	(pc) =	sbr.ind lr, $3  }
0x3a: {  	_ = 	snop  }
0x3b: {  	_ = 	snop  }
0x3c: {  	p2 =	seq.s32 s10, $0x1;
	s10 =	sld [smem:$0x3FB3]  }
0x3d: {  	_ =	shalt  }
0x3e: {  	_ =	shalt  }
0x3f: {  	_ =	shalt  }
0x40: {  	_ =	shalt  }
0x41: {  	_ =	shalt  }
0x42: {  	_ =	shalt  }
0x43: {  	_ =	shalt  }
0x44: {  	_ =	shalt  }
0x45: {  	_ =	shalt  }
0x46: {  	_ =	shalt  }
0x47: {  	_ =	shalt  }
0x48: {  	_ =	shalt  }
0x49: {  	_ =	shalt  }
0x4a: {  	_ =	shalt  }
0x4b: {  	_ =	shalt  }
0x4c: {  	_ =	shalt  }
0x4d: {  	_ =	shalt  }
0x4e: {  	_ =	shalt  }
0x4f: {  	_ =	shalt  }
0x50: {  	_ =	shalt  }
0x51: {  	_ =	shalt  }
0x52: {  	_ =	shalt  }
0x53: {  	_ =	shalt  }
0x54: {  	_ =	shalt  }
0x55: {  	_ =	shalt  }
0x56: {  	_ =	shalt  }
0x57: {  	_ =	shalt  }
0x58: {  	_ =	shalt  }
0x59: {  	_ =	shalt  }
0x5a: {  	_ =	shalt  }
0x5b: {  	_ =	shalt  }
0x5c: {  	_ =	shalt  }
0x5d: {  	_ =	shalt  }
0x5e: {  	_ =	shalt  }
0x5f: {  	_ =	shalt  }
0x60: {  	_ =	shalt  }
0x61: {  	_ =	shalt  }
0x62: {  	_ =	shalt  }
0x63: {  	_ =	shalt  }
0x64: {  	_ =	shalt  }
0x65: {  	_ =	shalt  }
0x66: {  	_ =	shalt  }
0x67: {  	_ =	shalt  }
0x68: {  	_ =	shalt  }
0x69: {  	_ =	shalt  }
0x6a: {  	_ =	shalt  }
0x6b: {  	_ =	shalt  }
0x6c: {  	_ =	shalt  }
0x6d: {  	_ =	shalt  }
0x6e: {  	_ =	shalt  }
0x6f: {  	_ =	shalt  }
0x70: {  	_ =	shalt  }
0x71: {  	_ =	shalt  }
0x72: {  	_ =	shalt  }
0x73: {  	_ =	shalt  }
0x74: {  	_ =	shalt  }
0x75: {  	_ =	shalt  }
0x76: {  	_ =	shalt  }
0x77: {  	_ =	shalt  }
0x78: {  	_ =	shalt  }
0x79: {  	_ =	shalt  }
0x7a: {  	_ =	shalt  }
0x7b: {  	_ =	shalt  }
0x7c: {  	_ =	shalt  }
0x7d: {  	_ =	shalt  }
0x7e: {  	_ =	shalt  }
0x7f: {  	_ =	shalt  }
0x80: {  	_ =	shalt  }
0x81: {  	_ =	shalt  }
0x82: {  	_ =	shalt  }
0x83: {  	_ =	shalt  }
0x84: {  	_ =	shalt  }
0x85: {  	_ =	shalt  }
0x86: {  	_ =	shalt  }
0x87: {  	_ =	shalt  }
.Lfunc_end0:
.L_simem_size_0:
called_computation.2_lowered:
.L_overlay_start_0:
0x88: {  	s2 =	sld [smem:$0x3FD9]  }
0x89: {  	s3 =	sld [smem:$0x3FFE];
	_ =	sdelay $0x1  }
0x8a: {  	s1 =	srdreg.scid  }
0x8b: {  	s0 =	sand.u32 $0x1, s1  }
0x8c: {  	s17 =	sshll.u32 s0, $0xA;
	s2 =	sadd.s32 s3, s2  }
0x8d: {  	s2 =	sadd.s32 s2, s17  }
0x8e: {  	[smem:$0x3FBF] =	sst s2  }
0x8f: {  	_ = 	snop  }
0x90: {  	s2 =	sld [smem:$0x3FD0];
	(tm) =	ssettm $0x1  }
0x91: {  	s18 =	sld [smem:$0x3FFB];
	_ =	sdelay $0x3  }
0x92: {  	_ =	strace s18  }
0x93: {  	s3 =	sld [smem:$0x3FFC];
	_ =	sdelay $0x3  }
0x94: {  	_ =	strace s3  }
0x95: {  	s3 =	sld [smem:$0x3FFD];
	_ =	sdelay $0x3  }
0x96: {  	_ =	strace s3  }
0x97: {  	_ =	strace $0x8FFFFFFF  }
0x98: {  	s19 =	sld [smem:$0x3FDB];
	_ =	sdelay $0x1  }
0x99: {  	s4 =	simm.s32 $_scs_section_size  }
0x9a: {  	s5 =	simm.s32 $_size__tile_overlayer_lowered;
	s6 =	simm.s32 $_tile_overlayer_lowered  }
0x9b: {  	s22 =	simm.s32 $0x1BFF;
	s21 =	sshll.u32 s6, $0x1;
	s3 =	sadd.s32 s4, s19  }
0x9c: {  	s7 =	simm.s32 $0x0;
	s20 =	sshll.u32 s5, $0x1;
	s5 =	sadd.s32 s21, s3  }
0x9d: {  	[timem:s7], [sflag:s22] =	dma.local [hbm:s5], s20  }
0x9e: {  	_ =	swait.ge [sflag:s22], s20  }
0x9f: {  	s4 =	ssub.s32 $0x0, s20;
	[sflag:s22] =	ssyncset.done $0x0  }
0xa0: {  	[sflag:s22] =	ssyncadd.s32 s4;
	_ =	sdelay $0x1  }
0xa1: {  	s23 =	simm.s32 $0x1B8B  }
0xa2: {  	_ =	swait.ge [sflag:s23], $0x1  }
0xa3: {  	[sflag:s23] =	ssyncset.done $0x0  }
0xa4: {  	s25 =	simm.s32 $0x1B8E;
	s24 =	sld [smem:$0x3FFE];
	[sflag:s23] =	ssyncadd.s32 $0xFFFFFFFF  }
0xa5: {  	s26 =	simm.s32 $execute0_lowered;
	[smem:$0x3FD2] =	sst s25  }
0xa6: {  	s5 =	sshll.u32 s26, $0x1;
	_ =	strace $0x8000004C;
	[dreg:$0x1] =	wrdreg $0xFFFFFFFF  }
0xa7: {  	s28 =	simm.s32 $_size_execute0_lowered;
	s3 =	sadd.s32 s3, s5;
	[dreg:$0x0] =	wrdreg $0x0  }
0xa8: {  	s5 =	sshll.u32 s28, $0x1;
	[dreg:$0x2] =	wrdreg s3  }
0xa9: {  	[dreg:$0x3] =	wrdreg s5  }
0xaa: {  	[dreg:$0x4] =	wrdreg $0xC0  }
0xab: {  	_ =	task [dreg:s7], $0x5FFFF  }
0xac: {  	[dreg:$0x1] =	wrdreg $0xFFFFFFFF  }
0xad: {  	[dreg:$0x0] =	wrdreg $0x60  }
0xae: {  	[dreg:$0x2] =	wrdreg s2  }
0xaf: {  	[dreg:$0x3] =	wrdreg s24  }
0xb0: {  	[dreg:$0x4] =	wrdreg $0x9E200  }
0xb1: {  	[dreg:$0x5] =	wrdreg $0x9  }
0xb2: {  	_ =	task.clear_ibuf [dreg:s7], $0x6FFFF;
	_ =	strace $0x9000004C  }
0xb3: {  	s29 =	simm.s32 $0x9;
	_ =	strace $0x8000004E  }
0xb4: {  	_ =	swait.ge [sflag:s29], $0x1  }
0xb5: {  	[sflag:s29] =	ssyncadd.s32 $0xFFFFFFFF  }
0xb6: {  	_ =	strace $0x9000004E  }
0xb7: {  	_ =	sfence  }
0xb8: {  	s30 =	sld [smem:$0x0];
	_ =	sdelay $0x2  }
0xb9: {  	s31 =	sshll.u32 s1, $0xD;
	s1 =	sshrl.u32 s1, $0x2  }
0xba: {  	s3 =	sand.u32 $0x4000, s31;
	s1 =	sadd.s32 s1, s30  }
0xbb: {  	s0 =	sor.u32 s3, s0;
	s1 =	sshll.u32 s1, $0x11  }
0xbc: {  	s0 =	sor.u32 s1, s0  }
0xbd: {  	s0 =	sadd.s32 $0x8F2B, s0  }
0xbe: {  	[sflag:s0] =	ssyncadd.remote.s32 $0x1  }
0xbf: {  	_ =	sfence.sel $0xFFFF  }
0xc0: {  	[dreg:$0x0] =	wrdreg $0xFFFFFFFF;
	(pc) =	sbr.abs _section_cstart, $3  }
0xc1: {  	[dreg:$0x1] =	wrdreg $0xFFFFFFFF  }
0xc2: {  	_ =	task.clear_ibuf [dreg:s7], $0x2FFFF;
	_ =	strace $0x9FFFFFFF  }
0xc3: {  	(tm) =	ssettm $0x7FFFFFFF  }
tec
execute0_lowered:
.L_overlay_start_1:
0x0: {  	(tag) =	ssettag $0x1  }
0x1: {  	s1 =	rddreg [dreg:$0x0]  }
0x2: {  	s0 =	rddreg [dreg:$0x1]  }
0x3: {  	s2 =	rddreg [dreg:$0x2];
	s3 =	simm.s32 $0x0  }
0x4: {  	s4 =	srdreg.scid;
	s19 =	simm.s32 $0x5;
	s20 =	simm.s32 $0x2710  }
0x5: {  	s21 =	simm.s32 $0x50;
	s22 =	simm.s32 $0x4E20;
	s28 =	simm.s32 $0x4DD0  }
0x6: {  	s29 =	simm.s32 $0x4;
	[smem:$0x7FF] =	sst s3;
	s7 =	sand.u32 $0x1, s4  }
0x7: {  	s5 =	sadd.s32 $0x64A00, s0;
	s4 =	stileid.u32;
	s9 =	sadd.s32 $0x2C00, s0  }
0x8: {  	s11 =	sadd.s32 $0xCA00, s0;
	s12 =	sadd.s32 $0x8BC00, s0;
	s0 =	sadd.s32 $0x8BA00, s0  }
0x9: {  	s30 =	sadd.s32 $0x27000, s1;
	_ =	strace $0x8000004D;
	s10 =	smul.u32 $0x13800, s4  }
0xa: {  	s6 =	ssub.s32 $0x2, s7;
	s15 =	smul.u32 $0x138800, s7;
	[dreg:$0x5] =	wrdreg s0  }
0xb: {  	s16 =	smul.u32 $0x9C4, s4;
	[dreg:$0x7] =	wrdreg s30;
	s8 =	sshrl.u32 s6, $0x1  }
0xc: {  	p0 =	sne.s32 s7, $0x0;
	p1 =	sne.s32 s4, $0xF;
	s14 =	ssub.s32 s6, s8  }
0xd: {  	s6 =	sadd.s32 s10, s2;
	s13 =	sshrl.u32 s10, $0x3;
	s8 =	sadd.s32 $0x138000, s2  }
0xe: {  	s25 =	sadd.s32 s10, s15;
	s26 =	sshrl.u32 s15, $0x3;
	s15 =	sadd.s32 s9, s16  }
0xf: {  	s31 =	sadd.s32 $0x4E2, s16;
	s16 =	sadd.s32 s11, s16;
	s23 =	sadd.s32 s5, s13  }
.Ltmp0:
0x10: {  	s24 =	sadd.s32 s1, s13;
	s0 =	sshrl.u32 s25, $0x3;
	(pc) =	sbr.rel .LBB2_1-.Ltmp0, $4  }
0x11: {  	s10 =	sadd.s32 s12, s26;
	s14 =	smax.u32 s14, $0x1;
	s17 =	sadd.s32 s9, s31  }
0x12: {  	s18 =	sadd.s32 s11, s31;
	s25 =	simm.s32 $0x7620;
	[dreg:$0x4] =	wrdreg s23  }
0x13: {  	s26 =	simm.s32 $0x1;
	[dreg:$0x6] =	wrdreg s24;
	s12 =	sadd.s32 s12, s0  }
0x14: {  	s13 =	sadd.s32 $0x27000, s10;
	s23 =	simm.s32 $0x3;
	s24 =	simm.s32 $0x2  }
.LBB2_39:
0x15: {  	_ =	swait.ge [sflag:s26], $0x2800  }
0x16: {  	[sflag:s26] =	ssyncset.done $0x0  }
0x17: {  	[sflag:s26] =	ssyncadd.s32 $0xFFFFD800  }
0x18: {  	[spmem:s2] =	stream.indirect.scatter.add.f32 [tilespmem:s22], [sflag:$0x3], $0x80, s28, s21, $0xb8;
	[tilespmem:$0x1D6A0] =	vst v63  }
0x19: {  	_ =	swait.ge [sflag:s29], $0x2800  }
0x1a: {  	[sflag:s29] =	ssyncset.done $0x0  }
0x1b: {  	[sflag:s29] =	ssyncadd.s32 $0xFFFFD800  }
0x1c: {  	_ =	swait.ge [sflag:s23], $0x2800  }
0x1d: {  	[sflag:s23] =	ssyncset.done $0x0  }
0x1e: {  	[sflag:s23] =	ssyncadd.s32 $0xFFFFD800  }
.LBB2_40:
0x1f: {  	[bflag:$0x0] =	sbarrier.arrive $0xFFFF  }
0x20: {  	[hbm:s12], [sflag:s31] =	dma.local [spmem:s0], $0x2700  }
0x21: {  	s3 =	sadd.s32 $0x1, s3;
	_ =	swait.ge [sflag:s19], $0x2700  }
0x22: {  	p2 =	sne.s32 s3, s14;
	[sflag:s19] =	ssyncset.done $0x0  }
.Ltmp1:
0x23: {  	s0 =	simm.s32 @!p1 $0x5;
	[sflag:s19] =	ssyncadd.s32 $0xFFFFD900;
	(pc) =	sbr.rel @!p2 .LBB2_41-.Ltmp1, $4  }
0x24: {  	[hbm:s13], [sflag:s31] =	dma.local @!p1 [spmem:s30], $0x100  }
0x25: {  	_ =	swait.ge @!p1 [sflag:s0], $0x100  }
0x26: {  	[sflag:s0] =	ssyncset.done @!p1 $0x0  }
0x27: {  	[sflag:s0] =	ssyncadd.s32 @!p1 $0xFFFFFF00  }
.LBB2_1:
.Ltmp2:
0x28: {  	(pc) =	sbr.rel @p0 .LBB2_21-.Ltmp2, $3  }
0x29: {  	_ =	sdelay $0x1  }
0x2a: {  	s7 =	sshll.u32 s4, $0x6  }
0x2b: {  	s30 =	sshrl.u32 @!p1 s8, $0x3;
	s0 =	sshrl.u32 s6, $0x3;
	s31 =	sor.u32 $0x1C05, s7  }
0x2c: {  	s7 =	rddreg [dreg:$0x6]  }
0x2d: {  	[spmem:s0], [sflag:s31] =	dma.local [hbm:s7], $0x2700  }
0x2e: {  	_ =	swait.ge [sflag:s19], $0x2700  }
0x2f: {  	[sflag:s19] =	ssyncset.done $0x0  }
0x30: {  	s7 =	rddreg [dreg:$0x7];
	[sflag:s19] =	ssyncadd.s32 $0xFFFFD900  }
0x31: {  	[spmem:s30], [sflag:s31] =	dma.local @!p1 [hbm:s7], $0x100  }
0x32: {  	s7 =	simm.s32 @!p1 $0x5  }
0x33: {  	_ =	swait.ge @!p1 [sflag:s7], $0x100  }
0x34: {  	[sflag:s7] =	ssyncset.done @!p1 $0x0  }
0x35: {  	[sflag:s7] =	ssyncadd.s32 @!p1 $0xFFFFFF00  }
0x36: {  	s7 =	simm.s32 $0x0;
	[bflag:$0x0] =	sbarrier.arrive $0xFFFF  }
0x37: {  	[tilespmem:s7], [sflag:$0x5] =	stream.linear.gather [hbm4b:s15+s7], $0x2710, $0x38;
	[tilespmem:$0x1D6A0] =	vst v63  }
0x38: {  	_ =	swait.ge [sflag:s19], $0x2710  }
0x39: {  	[sflag:s19] =	ssyncset.done $0x0  }
0x3a: {  	[sflag:s19] =	ssyncadd.s32 $0xFFFFD8F0  }
0x3b: {  	[tilespmem:s20], [sflag:$0x5] =	stream.linear.gather [hbm4b:s16+s7], $0x2710, $0x38;
	[tilespmem:$0x1D6A0] =	vst v63  }
.Ltmp3:
0x3c: {  	_ = 	snop;
	(pc) =	sbr.rel .LBB2_3-.Ltmp3, $4  }
0x3d: {  	_ =	swait.ge [sflag:s19], $0x2710  }
0x3e: {  	[sflag:s19] =	ssyncset.done $0x0  }
0x3f: {  	s9 =	simm.s32 $0x0;
	[sflag:s19] =	ssyncadd.s32 $0xFFFFD8F0  }
0x40: {  	[tilespmem:s22], [sflag:$0x1] =	stream.indirect.gather [hbm4b:s1+s21], $0x80, s7, s21, $0xb8;
	[tilespmem:$0x1D6A0] =	vst v63  }
.LBB2_9:
0x41: {  	_ =	swait.ge [sflag:s23], $0x2800  }
0x42: {  	s10 =	sshra.s32 s7, $0x2;
	[sflag:s23] =	ssyncset.done $0x0  }
0x43: {  	s11 =	sadd.s32 $0x50, s10;
	[sflag:s23] =	ssyncadd.s32 $0xFFFFD800  }
0x44: {  	[tilespmem:s22], [sflag:$0x1] =	stream.indirect.gather [hbm4b:s1+s21], $0x80, s11, s21, $0xb8;
	[tilespmem:$0x1D6A0] =	vst v63  }
0x45: {  	_ =	swait.ge [sflag:s24], $0x2800  }
0x46: {  	[sflag:s24] =	ssyncset.done $0x0  }
0x47: {  	s10 =	sadd.s32 $0x2710, s10;
	[sflag:s24] =	ssyncadd.s32 $0xFFFFD800  }
0x48: {  	[spmem:s2] =	stream.indirect.scatter.add.f32 [tilespmem:s25], [sflag:$0x4], $0x80, s10, s21, $0xb8;
	[tilespmem:$0x1D6A0] =	vst v63  }
.LBB2_10:
0x49: {  	s9 =	sadd.s32 $0x1, s9  }
0x4a: {  	p2 =	sne.s32 s9, $0x7C  }
.Ltmp4:
0x4b: {  	_ = 	snop;
	(pc) =	sbr.rel @!p2 .LBB2_11-.Ltmp4, $2  }
0x4c: {  	_ =	sdelay $0x2  }
0x4d: {  	s7 =	sadd.s32 $0x140, s7  }
.LBB2_3:
0x4e: {  	s10 =	sand.u32 $0x1, s9  }
0x4f: {  	p2 =	seq.s32 s10, $0x1  }
.Ltmp5:
0x50: {  	_ = 	snop;
	(pc) =	sbr.rel @p2 .LBB2_9-.Ltmp5, $1  }
0x51: {  	_ =	sdelay $0x3  }
0x52: {  	p2 =	seq.s32 s9, $0x0  }
.Ltmp6:
0x53: {  	_ = 	snop;
	(pc) =	sbr.rel @p2 .LBB2_7-.Ltmp6, $1  }
0x54: {  	_ =	sdelay $0x3  }
0x55: {  	p2 =	seq.s32 s9, $0x7C  }
.Ltmp7:
0x56: {  	_ = 	snop;
	(pc) =	sbr.rel @p2 .LBB2_8-.Ltmp7, $2  }
0x57: {  	_ =	sdelay $0x2  }
0x58: {  	s11 =	simm.s32 $0x9B00  }
0x59: {  	_ =	swait.ge [sflag:s29], $0x2800  }
0x5a: {  	[sflag:s29] =	ssyncset.done $0x0  }
0x5b: {  	[sflag:s29] =	ssyncadd.s32 $0xFFFFD800  }
.LBB2_7:
0x5c: {  	s11 =	sshra.s32 s7, $0x2  }
0x5d: {  	s11 =	sadd.s32 $0x50, s11  }
0x5e: {  	[tilespmem:s25], [sflag:$0x2] =	stream.indirect.gather [hbm4b:s1+s21], $0x80, s11, s21, $0xb8;
	[tilespmem:$0x1D6A0] =	vst v63  }
0x5f: {  	s11 =	smov.u32 s7  }
.LBB2_8:
0x60: {  	p2 =	seq.s32 s10, $0x0  }
.Ltmp8:
0x61: {  	_ = 	snop;
	(pc) =	sbr.rel @p2 .LBB2_10-.Ltmp8, $4  }
.Ltmp9:
0x62: {  	_ =	swait.ge [sflag:s26], $0x2800;
	(pc) =	sbr.rel @!p2 .LBB2_9-.Ltmp9, $4  }
0x63: {  	s11 =	sshra.s32 s11, $0x2;
	[sflag:s26] =	ssyncset.done $0x0  }
0x64: {  	s11 =	sadd.s32 $0x2710, s11;
	[sflag:s26] =	ssyncadd.s32 $0xFFFFD800  }
0x65: {  	[spmem:s2] =	stream.indirect.scatter.add.f32 [tilespmem:s22], [sflag:$0x3], $0x80, s11, s21, $0xb8;
	[tilespmem:$0x1D6A0] =	vst v63  }
0x66: {  	_ = 	snop  }
.LBB2_21:
0x67: {  	s7 =	rddreg [dreg:$0x4]  }
0x68: {  	[spmem:s0], [sflag:s31] =	dma.local [hbm:s7], $0x2700  }
0x69: {  	_ =	swait.ge [sflag:s19], $0x2700  }
0x6a: {  	[sflag:s19] =	ssyncset.done $0x0  }
0x6b: {  	s7 =	rddreg [dreg:$0x5];
	[sflag:s19] =	ssyncadd.s32 $0xFFFFD900  }
0x6c: {  	[spmem:s30], [sflag:s31] =	dma.local @!p1 [hbm:s7], $0x100  }
0x6d: {  	s7 =	simm.s32 @!p1 $0x5  }
0x6e: {  	_ =	swait.ge @!p1 [sflag:s7], $0x100  }
0x6f: {  	[sflag:s7] =	ssyncset.done @!p1 $0x0  }
0x70: {  	[sflag:s7] =	ssyncadd.s32 @!p1 $0xFFFFFF00  }
0x71: {  	s7 =	simm.s32 $0x0;
	[bflag:$0x0] =	sbarrier.arrive $0xFFFF  }
0x72: {  	[tilespmem:s7], [sflag:$0x5] =	stream.linear.gather [hbm4b:s15+s7], $0x2710, $0x38;
	[tilespmem:$0x1D6A0] =	vst v63  }
0x73: {  	_ =	swait.ge [sflag:s19], $0x2710  }
0x74: {  	[sflag:s19] =	ssyncset.done $0x0  }
0x75: {  	[sflag:s19] =	ssyncadd.s32 $0xFFFFD8F0  }
0x76: {  	[tilespmem:s20], [sflag:$0x5] =	stream.linear.gather [hbm4b:s16+s7], $0x2710, $0x38;
	[tilespmem:$0x1D6A0] =	vst v63  }
.Ltmp10:
0x77: {  	_ = 	snop;
	(pc) =	sbr.rel .LBB2_22-.Ltmp10, $4  }
0x78: {  	_ =	swait.ge [sflag:s19], $0x2710  }
0x79: {  	[sflag:s19] =	ssyncset.done $0x0  }
0x7a: {  	s9 =	simm.s32 $0x0;
	[sflag:s19] =	ssyncadd.s32 $0xFFFFD8F0  }
0x7b: {  	[tilespmem:s22], [sflag:$0x1] =	stream.indirect.gather [hbm4b:s5+s21], $0x80, s7, s21, $0xb8;
	[tilespmem:$0x1D6A0] =	vst v63  }
.LBB2_28:
0x7c: {  	_ =	swait.ge [sflag:s23], $0x2800  }
0x7d: {  	s10 =	sshra.s32 s7, $0x2;
	[sflag:s23] =	ssyncset.done $0x0  }
0x7e: {  	s11 =	sadd.s32 $0x50, s10;
	[sflag:s23] =	ssyncadd.s32 $0xFFFFD800  }
0x7f: {  	[tilespmem:s22], [sflag:$0x1] =	stream.indirect.gather [hbm4b:s5+s21], $0x80, s11, s21, $0xb8;
	[tilespmem:$0x1D6A0] =	vst v63  }
0x80: {  	_ =	swait.ge [sflag:s24], $0x2800  }
0x81: {  	[sflag:s24] =	ssyncset.done $0x0  }
0x82: {  	s10 =	sadd.s32 $0x2710, s10;
	[sflag:s24] =	ssyncadd.s32 $0xFFFFD800  }
0x83: {  	[spmem:s2] =	stream.indirect.scatter.add.f32 [tilespmem:s25], [sflag:$0x4], $0x80, s10, s21, $0xb8;
	[tilespmem:$0x1D6A0] =	vst v63  }
.LBB2_29:
0x84: {  	s9 =	sadd.s32 $0x1, s9  }
0x85: {  	p2 =	sne.s32 s9, $0x7C  }
.Ltmp11:
0x86: {  	_ = 	snop;
	(pc) =	sbr.rel @!p2 .LBB2_30-.Ltmp11, $2  }
0x87: {  	_ =	sdelay $0x2  }
0x88: {  	s7 =	sadd.s32 $0x140, s7  }
.LBB2_22:
0x89: {  	s10 =	sand.u32 $0x1, s9  }
0x8a: {  	p2 =	seq.s32 s10, $0x1  }
.Ltmp12:
0x8b: {  	_ = 	snop;
	(pc) =	sbr.rel @p2 .LBB2_28-.Ltmp12, $1  }
0x8c: {  	_ =	sdelay $0x3  }
0x8d: {  	p2 =	seq.s32 s9, $0x0  }
.Ltmp13:
0x8e: {  	_ = 	snop;
	(pc) =	sbr.rel @p2 .LBB2_26-.Ltmp13, $1  }
0x8f: {  	_ =	sdelay $0x3  }
0x90: {  	p2 =	seq.s32 s9, $0x7C  }
.Ltmp14:
0x91: {  	_ = 	snop;
	(pc) =	sbr.rel @p2 .LBB2_27-.Ltmp14, $2  }
0x92: {  	_ =	sdelay $0x2  }
0x93: {  	s11 =	simm.s32 $0x9B00  }
0x94: {  	_ =	swait.ge [sflag:s29], $0x2800  }
0x95: {  	[sflag:s29] =	ssyncset.done $0x0  }
0x96: {  	[sflag:s29] =	ssyncadd.s32 $0xFFFFD800  }
.LBB2_26:
0x97: {  	s11 =	sshra.s32 s7, $0x2  }
0x98: {  	s11 =	sadd.s32 $0x50, s11  }
0x99: {  	[tilespmem:s25], [sflag:$0x2] =	stream.indirect.gather [hbm4b:s5+s21], $0x80, s11, s21, $0xb8;
	[tilespmem:$0x1D6A0] =	vst v63  }
0x9a: {  	s11 =	smov.u32 s7  }
.LBB2_27:
0x9b: {  	p2 =	seq.s32 s10, $0x0  }
.Ltmp15:
0x9c: {  	_ = 	snop;
	(pc) =	sbr.rel @p2 .LBB2_29-.Ltmp15, $4  }
.Ltmp16:
0x9d: {  	_ =	swait.ge [sflag:s26], $0x2800;
	(pc) =	sbr.rel @!p2 .LBB2_28-.Ltmp16, $4  }
0x9e: {  	s11 =	sshra.s32 s11, $0x2;
	[sflag:s26] =	ssyncset.done $0x0  }
0x9f: {  	s11 =	sadd.s32 $0x2710, s11;
	[sflag:s26] =	ssyncadd.s32 $0xFFFFD800  }
0xa0: {  	[spmem:s2] =	stream.indirect.scatter.add.f32 [tilespmem:s22], [sflag:$0x3], $0x80, s11, s21, $0xb8;
	[tilespmem:$0x1D6A0] =	vst v63  }
0xa1: {  	_ = 	snop  }
.LBB2_11:
0xa2: {  	_ =	swait.ge [sflag:s26], $0x2800  }
0xa3: {  	[sflag:s26] =	ssyncset.done $0x0  }
0xa4: {  	[sflag:s26] =	ssyncadd.s32 $0xFFFFD800  }
0xa5: {  	[spmem:s2] =	stream.indirect.scatter.add.f32 [tilespmem:s22], [sflag:$0x3], $0x80, s28, s21, $0xb8;
	[tilespmem:$0x1D6A0] =	vst v63  }
0xa6: {  	_ =	swait.ge [sflag:s29], $0x2800  }
0xa7: {  	[sflag:s29] =	ssyncset.done $0x0  }
0xa8: {  	[sflag:s29] =	ssyncadd.s32 $0xFFFFD800  }
0xa9: {  	_ =	swait.ge [sflag:s23], $0x2800  }
0xaa: {  	[sflag:s23] =	ssyncset.done $0x0  }
0xab: {  	s7 =	simm.s32 $0x0;
	[sflag:s23] =	ssyncadd.s32 $0xFFFFD800  }
0xac: {  	[tilespmem:s7], [sflag:$0x5] =	stream.linear.gather [hbm4b:s17+s7], $0x2710, $0x38;
	[tilespmem:$0x1D6A0] =	vst v63  }
0xad: {  	_ =	swait.ge [sflag:s19], $0x2710  }
0xae: {  	[sflag:s19] =	ssyncset.done $0x0  }
0xaf: {  	[sflag:s19] =	ssyncadd.s32 $0xFFFFD8F0  }
0xb0: {  	[tilespmem:s20], [sflag:$0x5] =	stream.linear.gather [hbm4b:s18+s7], $0x2710, $0x38;
	[tilespmem:$0x1D6A0] =	vst v63  }
.Ltmp17:
0xb1: {  	_ = 	snop;
	(pc) =	sbr.rel .LBB2_12-.Ltmp17, $4  }
0xb2: {  	_ =	swait.ge [sflag:s19], $0x2710  }
0xb3: {  	[sflag:s19] =	ssyncset.done $0x0  }
0xb4: {  	s9 =	simm.s32 $0x0;
	[sflag:s19] =	ssyncadd.s32 $0xFFFFD8F0  }
0xb5: {  	[tilespmem:s22], [sflag:$0x1] =	stream.indirect.gather [hbm4b:s1+s21], $0x80, s7, s21, $0xb8;
	[tilespmem:$0x1D6A0] =	vst v63  }
.LBB2_18:
0xb6: {  	_ =	swait.ge [sflag:s23], $0x2800  }
0xb7: {  	s10 =	sshra.s32 s7, $0x2;
	[sflag:s23] =	ssyncset.done $0x0  }
0xb8: {  	s11 =	sadd.s32 $0x50, s10;
	[sflag:s23] =	ssyncadd.s32 $0xFFFFD800  }
0xb9: {  	[tilespmem:s22], [sflag:$0x1] =	stream.indirect.gather [hbm4b:s1+s21], $0x80, s11, s21, $0xb8;
	[tilespmem:$0x1D6A0] =	vst v63  }
0xba: {  	_ =	swait.ge [sflag:s24], $0x2800  }
0xbb: {  	[sflag:s24] =	ssyncset.done $0x0  }
0xbc: {  	s10 =	sadd.s32 $0x2710, s10;
	[sflag:s24] =	ssyncadd.s32 $0xFFFFD800  }
0xbd: {  	[spmem:s2] =	stream.indirect.scatter.add.f32 [tilespmem:s25], [sflag:$0x4], $0x80, s10, s21, $0xb8;
	[tilespmem:$0x1D6A0] =	vst v63  }
.LBB2_19:
0xbe: {  	s9 =	sadd.s32 $0x1, s9  }
0xbf: {  	p2 =	sne.s32 s9, $0x7C  }
.Ltmp18:
0xc0: {  	_ = 	snop;
	(pc) =	sbr.rel @!p2 .LBB2_20-.Ltmp18, $2  }
0xc1: {  	_ =	sdelay $0x2  }
0xc2: {  	s7 =	sadd.s32 $0x140, s7  }
.LBB2_12:
0xc3: {  	s10 =	sand.u32 $0x1, s9  }
0xc4: {  	p2 =	seq.s32 s10, $0x1  }
.Ltmp19:
0xc5: {  	_ = 	snop;
	(pc) =	sbr.rel @p2 .LBB2_18-.Ltmp19, $1  }
0xc6: {  	_ =	sdelay $0x3  }
0xc7: {  	p2 =	seq.s32 s9, $0x0  }
.Ltmp20:
0xc8: {  	_ = 	snop;
	(pc) =	sbr.rel @p2 .LBB2_16-.Ltmp20, $1  }
0xc9: {  	_ =	sdelay $0x3  }
0xca: {  	p2 =	seq.s32 s9, $0x7C  }
.Ltmp21:
0xcb: {  	_ = 	snop;
	(pc) =	sbr.rel @p2 .LBB2_17-.Ltmp21, $2  }
0xcc: {  	_ =	sdelay $0x2  }
0xcd: {  	s11 =	simm.s32 $0x9B00  }
0xce: {  	_ =	swait.ge [sflag:s29], $0x2800  }
0xcf: {  	[sflag:s29] =	ssyncset.done $0x0  }
0xd0: {  	[sflag:s29] =	ssyncadd.s32 $0xFFFFD800  }
.LBB2_16:
0xd1: {  	s11 =	sshra.s32 s7, $0x2  }
0xd2: {  	s11 =	sadd.s32 $0x50, s11  }
0xd3: {  	[tilespmem:s25], [sflag:$0x2] =	stream.indirect.gather [hbm4b:s1+s21], $0x80, s11, s21, $0xb8;
	[tilespmem:$0x1D6A0] =	vst v63  }
0xd4: {  	s11 =	smov.u32 s7  }
.LBB2_17:
0xd5: {  	p2 =	seq.s32 s10, $0x0  }
.Ltmp22:
0xd6: {  	_ = 	snop;
	(pc) =	sbr.rel @p2 .LBB2_19-.Ltmp22, $4  }
.Ltmp23:
0xd7: {  	_ =	swait.ge [sflag:s26], $0x2800;
	(pc) =	sbr.rel @!p2 .LBB2_18-.Ltmp23, $4  }
0xd8: {  	s11 =	sshra.s32 s11, $0x2;
	[sflag:s26] =	ssyncset.done $0x0  }
0xd9: {  	s11 =	sadd.s32 $0x2710, s11;
	[sflag:s26] =	ssyncadd.s32 $0xFFFFD800  }
0xda: {  	[spmem:s2] =	stream.indirect.scatter.add.f32 [tilespmem:s22], [sflag:$0x3], $0x80, s11, s21, $0xb8;
	[tilespmem:$0x1D6A0] =	vst v63  }
0xdb: {  	_ = 	snop  }
.LBB2_30:
0xdc: {  	_ =	swait.ge [sflag:s26], $0x2800  }
0xdd: {  	[sflag:s26] =	ssyncset.done $0x0  }
0xde: {  	[sflag:s26] =	ssyncadd.s32 $0xFFFFD800  }
0xdf: {  	[spmem:s2] =	stream.indirect.scatter.add.f32 [tilespmem:s22], [sflag:$0x3], $0x80, s28, s21, $0xb8;
	[tilespmem:$0x1D6A0] =	vst v63  }
0xe0: {  	_ =	swait.ge [sflag:s29], $0x2800  }
0xe1: {  	[sflag:s29] =	ssyncset.done $0x0  }
0xe2: {  	[sflag:s29] =	ssyncadd.s32 $0xFFFFD800  }
0xe3: {  	_ =	swait.ge [sflag:s23], $0x2800  }
0xe4: {  	[sflag:s23] =	ssyncset.done $0x0  }
0xe5: {  	s7 =	simm.s32 $0x0;
	[sflag:s23] =	ssyncadd.s32 $0xFFFFD800  }
0xe6: {  	[tilespmem:s7], [sflag:$0x5] =	stream.linear.gather [hbm4b:s17+s7], $0x2710, $0x38;
	[tilespmem:$0x1D6A0] =	vst v63  }
0xe7: {  	_ =	swait.ge [sflag:s19], $0x2710  }
0xe8: {  	[sflag:s19] =	ssyncset.done $0x0  }
0xe9: {  	[sflag:s19] =	ssyncadd.s32 $0xFFFFD8F0  }
0xea: {  	[tilespmem:s20], [sflag:$0x5] =	stream.linear.gather [hbm4b:s18+s7], $0x2710, $0x38;
	[tilespmem:$0x1D6A0] =	vst v63  }
.Ltmp24:
0xeb: {  	_ = 	snop;
	(pc) =	sbr.rel .LBB2_31-.Ltmp24, $4  }
0xec: {  	_ =	swait.ge [sflag:s19], $0x2710  }
0xed: {  	[sflag:s19] =	ssyncset.done $0x0  }
0xee: {  	s9 =	simm.s32 $0x0;
	[sflag:s19] =	ssyncadd.s32 $0xFFFFD8F0  }
0xef: {  	[tilespmem:s22], [sflag:$0x1] =	stream.indirect.gather [hbm4b:s5+s21], $0x80, s7, s21, $0xb8;
	[tilespmem:$0x1D6A0] =	vst v63  }
.LBB2_37:
0xf0: {  	_ =	swait.ge [sflag:s23], $0x2800  }
0xf1: {  	s10 =	sshra.s32 s7, $0x2;
	[sflag:s23] =	ssyncset.done $0x0  }
0xf2: {  	s11 =	sadd.s32 $0x50, s10;
	[sflag:s23] =	ssyncadd.s32 $0xFFFFD800  }
0xf3: {  	[tilespmem:s22], [sflag:$0x1] =	stream.indirect.gather [hbm4b:s5+s21], $0x80, s11, s21, $0xb8;
	[tilespmem:$0x1D6A0] =	vst v63  }
0xf4: {  	_ =	swait.ge [sflag:s24], $0x2800  }
0xf5: {  	[sflag:s24] =	ssyncset.done $0x0  }
0xf6: {  	s10 =	sadd.s32 $0x2710, s10;
	[sflag:s24] =	ssyncadd.s32 $0xFFFFD800  }
0xf7: {  	[spmem:s2] =	stream.indirect.scatter.add.f32 [tilespmem:s25], [sflag:$0x4], $0x80, s10, s21, $0xb8;
	[tilespmem:$0x1D6A0] =	vst v63  }
.LBB2_38:
0xf8: {  	s9 =	sadd.s32 $0x1, s9  }
0xf9: {  	p2 =	sne.s32 s9, $0x7C  }
.Ltmp25:
0xfa: {  	_ = 	snop;
	(pc) =	sbr.rel @!p2 .LBB2_39-.Ltmp25, $2  }
0xfb: {  	_ =	sdelay $0x2  }
0xfc: {  	s7 =	sadd.s32 $0x140, s7  }
.LBB2_31:
0xfd: {  	s10 =	sand.u32 $0x1, s9  }
0xfe: {  	p2 =	seq.s32 s10, $0x1  }
.Ltmp26:
0xff: {  	_ = 	snop;
	(pc) =	sbr.rel @p2 .LBB2_37-.Ltmp26, $1  }
0x100: {  	_ =	sdelay $0x3  }
0x101: {  	p2 =	seq.s32 s9, $0x0  }
.Ltmp27:
0x102: {  	_ = 	snop;
	(pc) =	sbr.rel @p2 .LBB2_35-.Ltmp27, $1  }
0x103: {  	_ =	sdelay $0x3  }
0x104: {  	p2 =	seq.s32 s9, $0x7C  }
.Ltmp28:
0x105: {  	_ = 	snop;
	(pc) =	sbr.rel @p2 .LBB2_36-.Ltmp28, $2  }
0x106: {  	_ =	sdelay $0x2  }
0x107: {  	s11 =	simm.s32 $0x9B00  }
0x108: {  	_ =	swait.ge [sflag:s29], $0x2800  }
0x109: {  	[sflag:s29] =	ssyncset.done $0x0  }
0x10a: {  	[sflag:s29] =	ssyncadd.s32 $0xFFFFD800  }
.LBB2_35:
0x10b: {  	s11 =	sshra.s32 s7, $0x2  }
0x10c: {  	s11 =	sadd.s32 $0x50, s11  }
0x10d: {  	[tilespmem:s25], [sflag:$0x2] =	stream.indirect.gather [hbm4b:s5+s21], $0x80, s11, s21, $0xb8;
	[tilespmem:$0x1D6A0] =	vst v63  }
0x10e: {  	s11 =	smov.u32 s7  }
.LBB2_36:
0x10f: {  	p2 =	seq.s32 s10, $0x0  }
.Ltmp29:
0x110: {  	_ = 	snop;
	(pc) =	sbr.rel @p2 .LBB2_38-.Ltmp29, $4  }
.Ltmp30:
0x111: {  	_ =	swait.ge [sflag:s26], $0x2800;
	(pc) =	sbr.rel @!p2 .LBB2_37-.Ltmp30, $4  }
0x112: {  	s11 =	sshra.s32 s11, $0x2;
	[sflag:s26] =	ssyncset.done $0x0  }
0x113: {  	s11 =	sadd.s32 $0x2710, s11;
	[sflag:s26] =	ssyncadd.s32 $0xFFFFD800  }
0x114: {  	[spmem:s2] =	stream.indirect.scatter.add.f32 [tilespmem:s22], [sflag:$0x3], $0x80, s11, s21, $0xb8;
	[tilespmem:$0x1D6A0] =	vst v63  }
0x115: {  	_ = 	snop  }
.LBB2_20:
0x116: {  	_ =	swait.ge [sflag:s26], $0x2800  }
0x117: {  	[sflag:s26] =	ssyncset.done $0x0  }
0x118: {  	[sflag:s26] =	ssyncadd.s32 $0xFFFFD800  }
0x119: {  	[spmem:s2] =	stream.indirect.scatter.add.f32 [tilespmem:s22], [sflag:$0x3], $0x80, s28, s21, $0xb8;
	[tilespmem:$0x1D6A0] =	vst v63  }
0x11a: {  	_ =	swait.ge [sflag:s29], $0x2800  }
.Ltmp31:
0x11b: {  	[sflag:s29] =	ssyncset.done $0x0;
	(pc) =	sbr.rel .LBB2_40-.Ltmp31, $4  }
0x11c: {  	[sflag:s29] =	ssyncadd.s32 $0xFFFFD800  }
0x11d: {  	_ =	swait.ge [sflag:s23], $0x2800  }
0x11e: {  	[sflag:s23] =	ssyncset.done $0x0  }
0x11f: {  	[sflag:s23] =	ssyncadd.s32 $0xFFFFD800  }
.LBB2_41:
0x120: {  	_ =	sfence.sel $0x180000  }
0x121: {  	[bflag:$0x0] =	sbarrier.arrive $0xFFFF  }
0x122: {  	_ =	strace $0x9000004D  }
0x123: {  	[bflag:$0x2] =	sbarrier.arrive $0xFFFF  }
0x124: {  	p0 =	sne.s32 s4, $0x0;
	s0 =	rddreg [dreg:$0x3]  }
0x125: {  	s0 =	sadd.s32 @!p0 $0x100000, s0  }
0x126: {  	[sflag:s0] =	ssyncadd.tile.s32 @!p0 $0x1;
	_ =	shalt  }
.Lfunc_end2:
_tile_overlayer_lowered:
.L_overlay_start_2:
0x127: {  	(tag) =	ssettag $0x2  }
0x128: {  	s0 =	rddreg [dreg:$0x0];
	s2 =	stileid.u32  }
0x129: {  	s1 =	rddreg [dreg:$0x1];
	p0 =	sne.s32 s2, $0x0  }
0x12a: {  	s3 =	rddreg [dreg:$0x2];
	[bflag:$0x3] =	sbarrier.arrive $0xFFFF;
	s2 =	simm.s32 @!p0 $0x1C05  }
0x12b: {  	[timem:s3], [sflag:s2] =	dma.local @!p0 [hbm:s0], s1  }
0x12c: {  	s0 =	simm.s32 @!p0 $0x5  }
0x12d: {  	_ =	swait.ge @!p0 [sflag:s0], s1  }
0x12e: {  	s1 =	ssub.s32 @!p0 $0x0, s1;
	[sflag:s0] =	ssyncset.done @!p0 $0x0  }
0x12f: {  	[sflag:s0] =	ssyncadd.s32 @!p0 s1  }
0x130: {  	[bflag:$0x3] =	sbarrier.arrive $0xFFFF  }
0x131: {  	_ =	shalt  }

// kernel: kernel.8.cloned.1.call-start
scs
__scs_entry_jumppad:
0x0: {  	(pc) =	sbr.rel $0x88, $3  }
0x1: {  	(tag) =	ssettag $0x0;
	lr =	simm.s32 $0x1  }
0x2: {  	[smem:$0x3F98] =	sst lr;
	_ =	strace $0xD0000000  }
0x3: {  	_ = 	snop  }
0x4: {  	_ = 	snop  }
0x5: {  	_ = 	snop  }
0x6: {  	_ = 	snop  }
0x7: {  	_ = 	snop  }
__scs_overlays_trampoline_lowered:
0x8: {  	[smem:$0x3FA7] =	sst s0  }
0x9: {  	[smem:$0x3FA8] =	sst s1  }
0xa: {  	[smem:$0x3FA9] =	sst s2  }
0xb: {  	[smem:$0x3FAA] =	sst s3  }
0xc: {  	[smem:$0x3FAB] =	sst s4  }
0xd: {  	[smem:$0x3FAC] =	sst s5  }
0xe: {  	[smem:$0x3FAD] =	sst s6  }
0xf: {  	[smem:$0x3FAE] =	sst s7  }
0x10: {  	[smem:$0x3FAF] =	sst s8  }
0x11: {  	[smem:$0x3FB0] =	sst s9;
	s0 =	simm.s32 @!p0 $0x0  }
0x12: {  	s1 =	sld [smem:$0x3F96];
	s0 =	simm.s32 @p0 $0x1  }
0x13: {  	[smem:$0x3FB1] =	sst s0;
	s0 =	simm.s32 @!p1 $0x0  }
0x14: {  	s2 =	sld [smem:$0x3F95];
	s0 =	simm.s32 @p1 $0x1  }
0x15: {  	[smem:$0x3FB2] =	sst s0;
	s0 =	simm.s32 @!p2 $0x0  }
0x16: {  	s3 =	sld [smem:$0x3FDB];
	s0 =	simm.s32 @p2 $0x1  }
0x17: {  	s4 =	simm.s32 $0x1BF5;
	[smem:$0x3FB4] =	sst s0  }
0x18: {  	s0 =	sld [smem:$0x3F97];
	_ =	swait.ge [sflag:s4], $0x0  }
0x19: {  	s7 =	sld [smem:$0x3F98]  }
0x1a: {  	s8 =	sadd.s32 $0xFFFFE003, lr  }
0x1b: {  	s9 =	sadd.s32 $0xFFFFFEF7, lr;
	s5 =	simm.s32 $0xFFFFFFFF;
	p2 =	slt.u32 s8, $0xFFFFF086  }
0x1c: {  	p1 =	slt.u32 s9, $0xF7A;
	s5 =	simm.s32 @!p2 $0x0  }
0x1d: {  	s5 =	simm.s32 @p1 $0x1;
	p0 =	seq.s32 s7, s2  }
0x1e: {  	s7 =	smul.u32 @!p0 $0xF7A, s2;
	p2 =	seq.s32 @!p0 s5, $0x0  }
0x1f: {  	s9 =	smul.u32 $0xF7A, s1;
	s8 =	simm.s32 @!p0 $0x1BF5;
	p2 =	por !p2, p0  }
0x20: {  	[sflag:s8] =	ssyncset.s32 @!p0 $0xFFFFF086;
	s6 =	sadd.s32 @!p0 s3, s7;
	s7 =	simm.s32 @!p0 $0x108  }
0x21: {  	s3 =	sadd.s32 s3, s9;
	s6 =	sadd.s32 @!p0 $0x88, s6;
	s7 =	simm.s32 @p2 $0x1082  }
0x22: {  	[simem:s7], [sflag:s8] =	dma.local @!p0 [hbm:s6], $0xF7A  }
0x23: {  	s9 =	sor.u32 $0xD0000000, s2;
	s6 =	simm.s32 $0x108;
	_ =	swait.ge @!p0 [sflag:s8], $0x0  }
0x24: {  	s3 =	sadd.s32 $0x88, s3;
	s6 =	simm.s32 @!p1 $0x1082;
	[sflag:s4] =	ssyncset.s32 $0xFFFFF086  }
0x25: {  	[simem:s6], [sflag:s4] =	dma.local [hbm:s3], $0xF7A  }
0x26: {  	[smem:$0x3F98] =	sst s1;
	(tag) =	ssettag s2;
	_ =	strace s9  }
0x27: {  	s1 =	sld [smem:$0x3FA8]  }
0x28: {  	s2 =	sld [smem:$0x3FA9]  }
0x29: {  	s4 =	sld [smem:$0x3FAB]  }
0x2a: {  	p0 =	seq.s32 s5, $0x0;
	s5 =	sld [smem:$0x3FAC]  }
0x2b: {  	s6 =	sld [smem:$0x3FAD]  }
0x2c: {  	s7 =	sld [smem:$0x3FAE]  }
0x2d: {  	s3 =	simm.s32 $0x108;
	s8 =	sld [smem:$0x3FAF]  }
0x2e: {  	s3 =	simm.s32 @!p0 $0x1082;
	s9 =	sld [smem:$0x3FB0]  }
0x2f: {  	lr =	sadd.s32 s0, s3;
	s0 =	sld [smem:$0x3FA7]  }
0x30: {  	s3 =	sld [smem:$0x3FAA]  }
0x31: {  	[smem:$0x3FB3] =	sst s10  }
0x32: {  	s10 =	sld [smem:$0x3FB1];
	_ =	sdelay $0x3  }
0x33: {  	p0 =	seq.s32 s10, $0x1;
	s10 =	sld [smem:$0x3FB3];
	_ =	sdelay $0x3  }
0x34: {  	[smem:$0x3FB3] =	sst s10  }
0x35: {  	s10 =	sld [smem:$0x3FB2];
	_ =	sdelay $0x3  }
0x36: {  	p1 =	seq.s32 s10, $0x1;
	s10 =	sld [smem:$0x3FB3];
	_ =	sdelay $0x3  }
0x37: {  	[smem:$0x3FB3] =	sst s10  }
0x38: {  	s10 =	sld [smem:$0x3FB4]  }
0x39: {  	_ = 	snop;
	(pc) =	sbr.ind lr, $3  }
0x3a: {  	_ = 	snop  }
0x3b: {  	_ = 	snop  }
0x3c: {  	p2 =	seq.s32 s10, $0x1;
	s10 =	sld [smem:$0x3FB3]  }
0x3d: {  	_ =	shalt  }
0x3e: {  	_ =	shalt  }
0x3f: {  	_ =	shalt  }
0x40: {  	_ =	shalt  }
0x41: {  	_ =	shalt  }
0x42: {  	_ =	shalt  }
0x43: {  	_ =	shalt  }
0x44: {  	_ =	shalt  }
0x45: {  	_ =	shalt  }
0x46: {  	_ =	shalt  }
0x47: {  	_ =	shalt  }
0x48: {  	_ =	shalt  }
0x49: {  	_ =	shalt  }
0x4a: {  	_ =	shalt  }
0x4b: {  	_ =	shalt  }
0x4c: {  	_ =	shalt  }
0x4d: {  	_ =	shalt  }
0x4e: {  	_ =	shalt  }
0x4f: {  	_ =	shalt  }
0x50: {  	_ =	shalt  }
0x51: {  	_ =	shalt  }
0x52: {  	_ =	shalt  }
0x53: {  	_ =	shalt  }
0x54: {  	_ =	shalt  }
0x55: {  	_ =	shalt  }
0x56: {  	_ =	shalt  }
0x57: {  	_ =	shalt  }
0x58: {  	_ =	shalt  }
0x59: {  	_ =	shalt  }
0x5a: {  	_ =	shalt  }
0x5b: {  	_ =	shalt  }
0x5c: {  	_ =	shalt  }
0x5d: {  	_ =	shalt  }
0x5e: {  	_ =	shalt  }
0x5f: {  	_ =	shalt  }
0x60: {  	_ =	shalt  }
0x61: {  	_ =	shalt  }
0x62: {  	_ =	shalt  }
0x63: {  	_ =	shalt  }
0x64: {  	_ =	shalt  }
0x65: {  	_ =	shalt  }
0x66: {  	_ =	shalt  }
0x67: {  	_ =	shalt  }
0x68: {  	_ =	shalt  }
0x69: {  	_ =	shalt  }
0x6a: {  	_ =	shalt  }
0x6b: {  	_ =	shalt  }
0x6c: {  	_ =	shalt  }
0x6d: {  	_ =	shalt  }
0x6e: {  	_ =	shalt  }
0x6f: {  	_ =	shalt  }
0x70: {  	_ =	shalt  }
0x71: {  	_ =	shalt  }
0x72: {  	_ =	shalt  }
0x73: {  	_ =	shalt  }
0x74: {  	_ =	shalt  }
0x75: {  	_ =	shalt  }
0x76: {  	_ =	shalt  }
0x77: {  	_ =	shalt  }
0x78: {  	_ =	shalt  }
0x79: {  	_ =	shalt  }
0x7a: {  	_ =	shalt  }
0x7b: {  	_ =	shalt  }
0x7c: {  	_ =	shalt  }
0x7d: {  	_ =	shalt  }
0x7e: {  	_ =	shalt  }
0x7f: {  	_ =	shalt  }
0x80: {  	_ =	shalt  }
0x81: {  	_ =	shalt  }
0x82: {  	_ =	shalt  }
0x83: {  	_ =	shalt  }
0x84: {  	_ =	shalt  }
0x85: {  	_ =	shalt  }
0x86: {  	_ =	shalt  }
0x87: {  	_ =	shalt  }
.Lfunc_end0:
.L_simem_size_0:
called_computation_lowered:
.L_overlay_start_0:
0x88: {  	s2 =	sld [smem:$0x3FD9]  }
0x89: {  	s3 =	sld [smem:$0x3FFE];
	_ =	sdelay $0x1  }
0x8a: {  	s1 =	srdreg.scid  }
0x8b: {  	s0 =	sand.u32 $0x1, s1  }
0x8c: {  	s17 =	sshll.u32 s0, $0xA;
	s2 =	sadd.s32 s3, s2  }
0x8d: {  	s2 =	sadd.s32 s2, s17  }
0x8e: {  	[smem:$0x3FBF] =	sst s2  }
0x8f: {  	_ = 	snop  }
0x90: {  	s2 =	sld [smem:$0x3FD0];
	(tm) =	ssettm $0x1  }
0x91: {  	s18 =	sld [smem:$0x3FFB];
	_ =	sdelay $0x3  }
0x92: {  	_ =	strace s18  }
0x93: {  	s3 =	sld [smem:$0x3FFC];
	_ =	sdelay $0x3  }
0x94: {  	_ =	strace s3  }
0x95: {  	s3 =	sld [smem:$0x3FFD];
	_ =	sdelay $0x3  }
0x96: {  	_ =	strace s3  }
0x97: {  	_ =	strace $0x8FFFFFFF  }
0x98: {  	s19 =	sld [smem:$0x3FDB];
	_ =	sdelay $0x1  }
0x99: {  	s4 =	simm.s32 $_scs_section_size  }
0x9a: {  	s5 =	simm.s32 $_size__tile_overlayer_lowered;
	s6 =	simm.s32 $_tile_overlayer_lowered  }
0x9b: {  	s22 =	simm.s32 $0x1BFF;
	s21 =	sshll.u32 s6, $0x1;
	s3 =	sadd.s32 s4, s19  }
0x9c: {  	s7 =	simm.s32 $0x0;
	s20 =	sshll.u32 s5, $0x1;
	s5 =	sadd.s32 s21, s3  }
0x9d: {  	[timem:s7], [sflag:s22] =	dma.local [hbm:s5], s20  }
0x9e: {  	_ =	swait.ge [sflag:s22], s20  }
0x9f: {  	s4 =	ssub.s32 $0x0, s20;
	[sflag:s22] =	ssyncset.done $0x0  }
0xa0: {  	[sflag:s22] =	ssyncadd.s32 s4;
	_ =	sdelay $0x1  }
0xa1: {  	s23 =	simm.s32 $0x1B8B  }
0xa2: {  	_ =	swait.ge [sflag:s23], $0x1  }
0xa3: {  	[sflag:s23] =	ssyncset.done $0x0  }
0xa4: {  	s25 =	simm.s32 $0x1B8E;
	s24 =	sld [smem:$0x3FFE];
	[sflag:s23] =	ssyncadd.s32 $0xFFFFFFFF  }
0xa5: {  	s26 =	simm.s32 $execute0_lowered;
	[smem:$0x3FD2] =	sst s25  }
0xa6: {  	s5 =	sshll.u32 s26, $0x1;
	_ =	strace $0x80000046;
	[dreg:$0x1] =	wrdreg $0xFFFFFFFF  }
0xa7: {  	s28 =	simm.s32 $_size_execute0_lowered;
	s3 =	sadd.s32 s3, s5;
	[dreg:$0x0] =	wrdreg $0x0  }
0xa8: {  	s5 =	sshll.u32 s28, $0x1;
	[dreg:$0x2] =	wrdreg s3  }
0xa9: {  	[dreg:$0x3] =	wrdreg s5  }
0xaa: {  	[dreg:$0x4] =	wrdreg $0xC0  }
0xab: {  	_ =	task [dreg:s7], $0x5FFFF  }
0xac: {  	[dreg:$0x1] =	wrdreg $0xFFFFFFFF  }
0xad: {  	[dreg:$0x0] =	wrdreg $0x60  }
0xae: {  	[dreg:$0x2] =	wrdreg s24  }
0xaf: {  	[dreg:$0x3] =	wrdreg s2  }
0xb0: {  	[dreg:$0x4] =	wrdreg $0x29900  }
0xb1: {  	[dreg:$0x5] =	wrdreg $0x9  }
0xb2: {  	_ =	task.clear_ibuf [dreg:s7], $0x6FFFF;
	_ =	strace $0x90000046  }
0xb3: {  	s29 =	simm.s32 $0x9;
	_ =	strace $0x80000048  }
0xb4: {  	_ =	swait.ge [sflag:s29], $0x1  }
0xb5: {  	[sflag:s29] =	ssyncadd.s32 $0xFFFFFFFF  }
0xb6: {  	_ =	strace $0x90000048  }
0xb7: {  	_ =	sfence  }
0xb8: {  	s30 =	sld [smem:$0x0];
	_ =	sdelay $0x2  }
0xb9: {  	s31 =	sshll.u32 s1, $0xD;
	s1 =	sshrl.u32 s1, $0x2  }
0xba: {  	s3 =	sand.u32 $0x4000, s31;
	s1 =	sadd.s32 s1, s30  }
0xbb: {  	s0 =	sor.u32 s3, s0;
	s1 =	sshll.u32 s1, $0x11  }
0xbc: {  	s0 =	sor.u32 s1, s0  }
0xbd: {  	s0 =	sadd.s32 $0x8F2B, s0  }
0xbe: {  	[sflag:s0] =	ssyncadd.remote.s32 $0x1  }
0xbf: {  	_ =	sfence.sel $0xFFFF  }
0xc0: {  	[dreg:$0x0] =	wrdreg $0xFFFFFFFF;
	(pc) =	sbr.abs _section_cstart, $3  }
0xc1: {  	[dreg:$0x1] =	wrdreg $0xFFFFFFFF  }
0xc2: {  	_ =	task.clear_ibuf [dreg:s7], $0x2FFFF;
	_ =	strace $0x9FFFFFFF  }
0xc3: {  	(tm) =	ssettm $0x7FFFFFFF  }
tec
execute0_lowered:
.L_overlay_start_1:
0x0: {  	(tag) =	ssettag $0x1  }
0x1: {  	s7 =	rddreg [dreg:$0x0]  }
0x2: {  	s1 =	srdreg.scid;
	s9 =	rddreg [dreg:$0x1]  }
0x3: {  	s0 =	stileid.u32;
	s2 =	rddreg [dreg:$0x2]  }
0x4: {  	s3 =	simm.s32 $0x0;
	s16 =	simm.s32 $0x50;
	s17 =	simm.s32 $0x1  }
0x5: {  	s18 =	simm.s32 $0x0;
	s5 =	sand.u32 $0x1, s1;
	s1 =	rddreg [dreg:$0x3]  }
0x6: {  	s26 =	sshll.u32 s0, $0x1;
	[smem:$0x7FF] =	sst s3;
	s8 =	smul.u32 $0x1380, s0  }
0x7: {  	s29 =	sshll.u32 s0, $0x6;
	s15 =	sadd.s32 $0x13800, s2;
	p0 =	sne.s32 s0, $0xF  }
0x8: {  	s4 =	sor.u32 s5, s26;
	_ =	strace $0x80000047;
	s13 =	smul.u32 $0x13880, s5  }
0x9: {  	s6 =	ssub.s32 $0x2, s5;
	s4 =	smul.u32 $0x4E2, s4;
	s28 =	sshrl.u32 s8, $0x3  }
0xa: {  	s12 =	sshrl.u32 s6, $0x1;
	s14 =	sadd.s32 s8, s2;
	s11 =	sadd.s32 s28, s7  }
0xb: {  	s12 =	ssub.s32 s6, s12;
	s6 =	sor.u32 $0x1C02, s29;
	s8 =	sadd.s32 s8, s13  }
0xc: {  	s30 =	sshrl.u32 s13, $0x3;
	s13 =	simm.s32 $0x2;
	s10 =	sadd.s32 s4, s7  }
0xd: {  	s4 =	sadd.s32 $0x19000, s7;
	s5 =	sadd.s32 $0x16800, s11;
	s7 =	sadd.s32 $0x18F00, s7  }
0xe: {  	s31 =	sshrl.u32 s8, $0x3;
	s11 =	sadd.s32 s9, s30;
	s8 =	sadd.s32 $0xCA00, s10  }
0xf: {  	s9 =	sadd.s32 s9, s31;
	s10 =	sadd.s32 $0x2700, s11;
	s11 =	smax.u32 s12, $0x1  }
0x10: {  	s12 =	sshrl.u32 s14, $0x3;
	s14 =	sshrl.u32 @!p0 s15, $0x3;
	s15 =	simm.s32 $0x2710  }
.LBB2_1:
0x11: {  	[spmem:s12], [sflag:s6] =	dma.local [hbm:s5], $0x270  }
0x12: {  	_ =	swait.ge [sflag:s13], $0x270  }
0x13: {  	[sflag:s13] =	ssyncset.done $0x0  }
0x14: {  	s19 =	simm.s32 @!p0 $0x2;
	[sflag:s13] =	ssyncadd.s32 $0xFFFFFD90  }
0x15: {  	[spmem:s14], [sflag:s6] =	dma.local @!p0 [hbm:s7], $0x10  }
0x16: {  	_ =	swait.ge @!p0 [sflag:s19], $0x10  }
0x17: {  	[sflag:s19] =	ssyncset.done @!p0 $0x0  }
0x18: {  	[sflag:s19] =	ssyncadd.s32 @!p0 $0xFFFFFFF0  }
0x19: {  	[tilespmem:s15], [sflag:$0x2] =	stream.linear.gather [hbm4b:s4+s3], $0x280, $0x38;
	[tilespmem:$0x3D18] =	vst v63  }
0x1a: {  	_ =	swait.ge [sflag:s13], $0x280  }
0x1b: {  	[sflag:s13] =	ssyncset.done $0x0  }
0x1c: {  	[sflag:s13] =	ssyncadd.s32 $0xFFFFFD80  }
0x1d: {  	[tilespmem:s3], [sflag:$0x2] =	stream.linear.gather [hbm4b:s8+s3], $0x2710, $0x38;
	[tilespmem:$0x3D18] =	vst v63  }
0x1e: {  	_ =	swait.ge [sflag:s13], $0x2710  }
0x1f: {  	[sflag:s13] =	ssyncset.done $0x0  }
0x20: {  	[sflag:s13] =	ssyncadd.s32 $0xFFFFD8F0  }
0x21: {  	s19 =	simm.s32 $0x0;
	[bflag:$0x0] =	sbarrier.arrive $0xFFFF  }
.LBB2_2:
0x22: {  	p1 =	sne.s32 s19, $0x9B00  }
.Ltmp0:
0x23: {  	_ = 	snop;
	(pc) =	sbr.rel @p1 .LBB2_2-.Ltmp0, $3  }
0x24: {  	_ =	sdelay $0x1  }
0x25: {  	s20 =	sshra.s32 s19, $0x2;
	s19 =	sadd.s32 $0x140, s19  }
0x26: {  	[spmem:s2] =	stream.indirect.scatter.add.f32 [tilespmem:s15], [sflag:$0x1], $0x8, s20, s16, $0xb8;
	[tilespmem:$0x3D18] =	vst v63  }
0x27: {  	_ =	swait.ge [sflag:s17], $0x280  }
0x28: {  	s19 =	simm.s32 $0x7C;
	[sflag:s17] =	ssyncset.done $0x0  }
.LBB2_4:
0x29: {  	p1 =	sne.s32 s19, $0x1;
	s19 =	sadd.s32 $0xFFFFFFFF, s19;
	[sflag:s17] =	ssyncadd.s32 $0xFFFFFD80  }
.Ltmp1:
0x2a: {  	(pc) =	sbr.rel @p1 .LBB2_4-.Ltmp1, $3  }
0x2b: {  	_ =	sdelay $0x1  }
0x2c: {  	_ =	swait.ge [sflag:s17], $0x280  }
0x2d: {  	[sflag:s17] =	ssyncset.done $0x0  }
0x2e: {  	[sflag:s17] =	ssyncadd.s32 $0xFFFFFD80  }
0x2f: {  	[bflag:$0x0] =	sbarrier.arrive $0xFFFF  }
0x30: {  	[hbm:s9], [sflag:s6] =	dma.local [spmem:s12], $0x270  }
0x31: {  	s18 =	sadd.s32 $0x1, s18;
	_ =	swait.ge [sflag:s13], $0x270  }
0x32: {  	p1 =	sne.s32 s18, s11;
	[sflag:s13] =	ssyncset.done $0x0  }
.Ltmp2:
0x33: {  	s19 =	simm.s32 @!p0 $0x2;
	[sflag:s13] =	ssyncadd.s32 $0xFFFFFD90;
	(pc) =	sbr.rel @p1 .LBB2_1-.Ltmp2, $4  }
0x34: {  	[hbm:s10], [sflag:s6] =	dma.local @!p0 [spmem:s14], $0x10  }
0x35: {  	_ =	swait.ge @!p0 [sflag:s19], $0x10  }
0x36: {  	[sflag:s19] =	ssyncset.done @!p0 $0x0  }
0x37: {  	[sflag:s19] =	ssyncadd.s32 @!p0 $0xFFFFFFF0  }
0x38: {  	_ =	sfence.sel $0x180000  }
0x39: {  	[bflag:$0x0] =	sbarrier.arrive $0xFFFF  }
0x3a: {  	p0 =	sne.s32 s0, $0x0;
	_ =	strace $0x90000047  }
0x3b: {  	s0 =	sadd.s32 @!p0 $0x100000, s1;
	[bflag:$0x2] =	sbarrier.arrive $0xFFFF  }
0x3c: {  	[sflag:s0] =	ssyncadd.tile.s32 @!p0 $0x1;
	_ =	shalt  }
.Lfunc_end2:
_tile_overlayer_lowered:
.L_overlay_start_2:
0x3d: {  	(tag) =	ssettag $0x2  }
0x3e: {  	s0 =	rddreg [dreg:$0x0];
	s2 =	stileid.u32  }
0x3f: {  	s1 =	rddreg [dreg:$0x1];
	p0 =	sne.s32 s2, $0x0  }
0x40: {  	s3 =	rddreg [dreg:$0x2];
	[bflag:$0x3] =	sbarrier.arrive $0xFFFF;
	s2 =	simm.s32 @!p0 $0x1C02  }
0x41: {  	[timem:s3], [sflag:s2] =	dma.local @!p0 [hbm:s0], s1  }
0x42: {  	s0 =	simm.s32 @!p0 $0x2  }
0x43: {  	_ =	swait.ge @!p0 [sflag:s0], s1  }
0x44: {  	s1 =	ssub.s32 @!p0 $0x0, s1;
	[sflag:s0] =	ssyncset.done @!p0 $0x0  }
0x45: {  	[sflag:s0] =	ssyncadd.s32 @!p0 s1  }
0x46: {  	[bflag:$0x3] =	sbarrier.arrive $0xFFFF  }
0x47: {  	_ =	shalt  }

</sc_bundles>
